<compile_context>
chip_gen: v7x
topology: tpu7x:2x2x1
jax: 0.10.2.dev20260603
libtpu: 0.0.44.dev20260713+nightly
codegen_flags: <defaults>
</compile_context>

<pallas_src>
import functools

import jax
import jax.numpy as jnp
from jax import lax
from jax.experimental import pallas as pl
from jax.experimental.pallas import tpu as pltpu
from jax.experimental.pallas import tpu_sc as plsc

N = 10000
E = 320000
F = 128
R = 8
NBASES = 4

NC = 2
NS = 16
NTILES = NC * NS
CH = 80
NCH = 125
EPT = NCH * CH
DBITS = 14
DMASK = (1 << DBITS) - 1
RPT = 624
OTAIL = N - NS * RPT

BLK = 2000
NBLK = N // BLK


def _hall_body(x_ref, w_ref, wc_ref, out_ref):
    r = pl.program_id(1)
    relw = wc_ref[r, 0] * w_ref[0]
    for b in range(1, NBASES):
        relw = relw + wc_ref[r, b] * w_ref[b]
    out_ref[0] = jnp.dot(x_ref[...], relw,
                         preferred_element_type=jnp.float32)


def _hall(x, weight, w_comp):
    return pl.pallas_call(
        _hall_body,
        grid=(NBLK, R),
        in_specs=[
            pl.BlockSpec((BLK, F), lambda nb, r: (nb, 0)),
            pl.BlockSpec(memory_space=pltpu.MemorySpace.VMEM),
            pl.BlockSpec(memory_space=pltpu.MemorySpace.SMEM),
        ],
        out_specs=pl.BlockSpec((1, BLK, F), lambda nb, r: (r, nb, 0)),
        out_shape=jax.ShapeDtypeStruct((R, N, F), jnp.float32),
    )(x, weight, w_comp)


def _sc_agg_body(hall_hbm, comb_hbm, zeros_hbm, out_hbm,
                 comb, gidx2, didx2, buf, acc, gsem):
    c = lax.axis_index("c")
    s = lax.axis_index("s")
    tile = c * NS + s

    pltpu.sync_copy(zeros_hbm.at[pl.ds(s * RPT, RPT)],
                    acc.at[pl.ds(s * RPT, RPT)])

    @pl.when(s == NS - 1)
    def _zero_tail():
        pltpu.sync_copy(zeros_hbm.at[pl.ds(NS * RPT, OTAIL)],
                        acc.at[pl.ds(NS * RPT, OTAIL)])

    pltpu.sync_copy(comb_hbm.at[tile], comb)

    def unpack_row(j, slot):
        def uv(k, _):
            sl = pl.ds(k * 16, 16)
            w = comb[j, sl]
            didx2[slot, sl] = lax.bitwise_and(w, DMASK)
            gidx2[slot, sl] = lax.shift_right_logical(w, DBITS)
            return 0
        lax.fori_loop(0, CH // 16, uv, 0)

    plsc.subcore_barrier()

    unpack_row(0, 0)
    pltpu.async_copy(hall_hbm.at[gidx2.at[0]], buf.at[0], gsem)

    def pair(i, _):
        for b in range(2):
            j = 2 * i + b
            o = 1 - b

            @pl.when(j + 1 < NCH)
            def _prefetch():
                unpack_row(j + 1, o)
                pltpu.async_copy(hall_hbm.at[gidx2.at[o]], buf.at[o], gsem)

            pltpu.make_async_copy(hall_hbm.at[gidx2.at[b]], buf.at[b],
                                  gsem).wait()
            pltpu.sync_copy(buf.at[b], acc.at[didx2.at[b]], add=True)
        return 0

    lax.fori_loop(0, NCH // 2, pair, 0)

    last_b = (NCH - 1) % 2
    pltpu.make_async_copy(hall_hbm.at[gidx2.at[last_b]], buf.at[last_b],
                          gsem).wait()
    pltpu.sync_copy(buf.at[last_b], acc.at[didx2.at[last_b]], add=True)

    plsc.subcore_barrier()
    pltpu.sync_copy(acc.at[pl.ds(s * RPT, RPT)],
                    out_hbm.at[c, pl.ds(s * RPT, RPT)])

    @pl.when(s == NS - 1)
    def _write_tail():
        pltpu.sync_copy(acc.at[pl.ds(NS * RPT, OTAIL)],
                        out_hbm.at[c, pl.ds(NS * RPT, OTAIL)])


@functools.cache
def _sc_agg():
    return pl.kernel(
        _sc_agg_body,
        out_type=jax.ShapeDtypeStruct((NC, N, F), jnp.float32),
        mesh=plsc.VectorSubcoreMesh(core_axis_name="c", subcore_axis_name="s",
                                    num_cores=NC, num_subcores=NS),
        scratch_types=[
            pltpu.VMEM((NCH, CH), jnp.int32),
            pltpu.VMEM((2, CH), jnp.int32),
            pltpu.VMEM((2, CH), jnp.int32),
            pltpu.VMEM((2, CH, F), jnp.float32),
            pltpu.VMEM_SHARED((N, F), jnp.float32),
            pltpu.SemaphoreType.DMA,
        ],
    )


def _mlp_body(p_ref, x_ref, lw_ref, bias_ref, w1_ref, b1_ref, w2_ref,
              b2_ref, out_ref):
    h = (p_ref[0] + p_ref[1] + bias_ref[...]
         + jnp.dot(x_ref[...], lw_ref[...],
                   preferred_element_type=jnp.float32))
    h = jnp.maximum(
        jnp.dot(h, w1_ref[...], preferred_element_type=jnp.float32)
        + b1_ref[...], 0.0)
    out_ref[...] = jnp.maximum(
        jnp.dot(h, w2_ref[...], preferred_element_type=jnp.float32)
        + b2_ref[...], 0.0)


def _mlp(parts, x, loop_weight, h_bias, W1, b1, W2, b2):
    return pl.pallas_call(
        _mlp_body,
        grid=(NBLK,),
        in_specs=[
            pl.BlockSpec((NC, BLK, F), lambda nb: (0, nb, 0)),
            pl.BlockSpec((BLK, F), lambda nb: (nb, 0)),
            pl.BlockSpec((F, F), lambda nb: (0, 0)),
            pl.BlockSpec((1, F), lambda nb: (0, 0)),
            pl.BlockSpec((F, F), lambda nb: (0, 0)),
            pl.BlockSpec((1, F), lambda nb: (0, 0)),
            pl.BlockSpec((F, F), lambda nb: (0, 0)),
            pl.BlockSpec((1, F), lambda nb: (0, 0)),
        ],
        out_specs=pl.BlockSpec((BLK, F), lambda nb: (nb, 0)),
        out_shape=jax.ShapeDtypeStruct((N, F), jnp.float32),
    )(parts, x, loop_weight, h_bias.reshape(1, F), W1, b1.reshape(1, F),
      W2, b2.reshape(1, F))


def kernel(x, edge_index, etypes, weight, w_comp, loop_weight, h_bias,
           W1, b1, W2, b2):
    src = edge_index[0].astype(jnp.int32)
    dst = edge_index[1].astype(jnp.int32)
    et = etypes.astype(jnp.int32)
    comb3 = (((et * N + src) << DBITS) | dst).reshape(NTILES, NCH, CH)

    hall = _hall(x, weight, w_comp)
    zeros = jnp.zeros((N, F), jnp.float32)
    parts = _sc_agg()(hall.reshape(R * N, F), comb3, zeros)
    return _mlp(parts, x, loop_weight, h_bias, W1, b1, W2, b2)

# --- scband reference (transcript-rebuilt; emitter-appended) ---
"""Pipeline reference for scband-rginlayer-8083128451272 (READ-ONLY COPY).

The authoritative reference and input builder live on the scoring server;
editing this copy changes nothing except your own understanding.
"""

import jax, jax.numpy as jnp
import numpy as np

N_NODES = 10000
N_EDGES = 320000
IN_FEAT = 128
OUT_FEAT = 128
NUM_RELS = 8
NUM_BASES = 4


def setup_inputs(seed: int = 0) -> dict:
    key = jax.random.key(seed)
    ks = jax.random.split(key, 12)
    std = 1.0 / (OUT_FEAT ** 0.5)
    x = jax.random.normal(ks[0], (N_NODES, IN_FEAT), dtype=jnp.float32)
    edge_index = jax.random.randint(ks[1], (2, N_EDGES), 0, N_NODES, dtype=jnp.int64) if jax.config.jax_enable_x64 else jax.random.randint(ks[1], (2, N_EDGES), 0, N_NODES).astype(jnp.int32)
    etypes = jax.random.randint(ks[2], (N_EDGES,), 0, NUM_RELS).astype(edge_index.dtype)
    # RelGraphConv basis-decomposition parameters
    weight = std * jax.random.normal(ks[3], (NUM_BASES, IN_FEAT, OUT_FEAT), dtype=jnp.float32)
    w_comp = std * jax.random.normal(ks[4], (NUM_RELS, NUM_BASES), dtype=jnp.float32)
    loop_weight = std * jax.random.normal(ks[5], (IN_FEAT, OUT_FEAT), dtype=jnp.float32)
    h_bias = jnp.zeros((OUT_FEAT,), dtype=jnp.float32)
    # MLP parameters (Linear -> ReLU -> Linear -> ReLU)
    W1 = std * jax.random.normal(ks[6], (OUT_FEAT, OUT_FEAT), dtype=jnp.float32)
    b1 = jnp.zeros((OUT_FEAT,), dtype=jnp.float32)
    W2 = std * jax.random.normal(ks[7], (OUT_FEAT, OUT_FEAT), dtype=jnp.float32)
    b2 = jnp.zeros((OUT_FEAT,), dtype=jnp.float32)
    return {"x": x, "edge_index": edge_index, "etypes": etypes,
            "weight": weight, "w_comp": w_comp, "loop_weight": loop_weight,
            "h_bias": h_bias, "W1": W1, "b1": b1, "W2": W2, "b2": b2}


def reference(x, edge_index, etypes, weight, w_comp, loop_weight, h_bias, W1, b1, W2, b2):
    # RelGraphConv (basis regularizer, self_loop=True, norm=None, activation=None)
    src = edge_index[0]
    dst = edge_index[1]
    N = x.shape[0]
    # Compose per-relation weights from bases: [R, in, out]
    rel_w = jnp.einsum('rb,bio->rio', w_comp, weight)
    # Low-memory equivalent of per-edge bmm: project x through every relation,
    # then gather per (src, etype). Mathematically identical to DGL's message fn.
    h_all = jnp.einsum('ni,rio->nro', x, rel_w)  # [N, R, out]
    msg = h_all[src, etypes]                      # [E, out] gather
    agg = jax.ops.segment_sum(msg, dst, num_segments=N)  # sum aggregation at dst
    # self-loop + bias
    h = agg + x @ loop_weight + h_bias
    # MLP: Linear -> ReLU -> Linear -> ReLU (dropout p=0.0 is identity)
    h = jax.nn.relu(h @ W1 + b1)
    h = jax.nn.relu(h @ W2 + b2)
    return h

if __name__ == "__main__":
    import jax
    _d = setup_inputs()
    print(jax.jit(kernel)(*tuple(_d.values())))

</pallas_src>

<mosaic_0001>
#map = affine_map<(d0, d1) -> (0, 0)>
#map1 = affine_map<(d0, d1) -> (0, 0, 0)>
module attributes {stable_mosaic.version = 14 : i64} {
  func.func @_sc_agg_body(%arg0: i32, %arg1: i32, %arg2: memref<80000x128xf32, #tpu.memory_space<hbm>>, %arg3: memref<32x125x80xi32, #tpu.memory_space<hbm>>, %arg4: memref<10000x128xf32, #tpu.memory_space<hbm>>, %arg5: memref<2x10000x128xf32, #tpu.memory_space<hbm>>, %arg6: memref<125x80xi32, #tpu.memory_space<vmem>>, %arg7: memref<2x80xi32, #tpu.memory_space<vmem>>, %arg8: memref<2x80xi32, #tpu.memory_space<vmem>>, %arg9: memref<2x80x128xf32, #tpu.memory_space<vmem>>, %arg10: memref<10000x128xf32, #tpu.memory_space<vmem_shared>>, %arg11: memref<!tpu.dma_semaphore, #tpu.memory_space<semaphore_mem>>) attributes {dimension_semantics = [#tpu.dimension_semantics<core_parallel>, #tpu.dimension_semantics<subcore_parallel>], iteration_bounds = array<i64: 2, 16>, scalar_prefetch = 0 : i64, scratch_operands = 6 : i64, tpu.core_type = #tpu.core_type<sc_vector_subcore>, window_params = [{transform_indices = #map}, {transform_indices = #map1}, {transform_indices = #map}, {transform_indices = #map1}]} {
    %mul3A = arith.constant 16 : i32
    %mul3A_0 = arith.muli %arg0, %mul3A : i32
    %add3A = arith.addi %mul3A_0, %arg1 : i32
    %mul3A_1 = arith.constant 624 : i32
    %mul3A_2 = arith.muli %arg1, %mul3A_1 : i32
    %mul3A_3 = arith.constant 624 : i32
    %mul3A_4 = arith.muli %arg1, %mul3A_3 : i32
    "tpu.region"() ({
      %run_scoped3A_53 = tpu.sem_alloc : memref<!tpu.dma_semaphore, #tpu.memory_space<semaphore_mem>>
      %dma_start3A_54 = arith.constant 0 : i32
      %dma_start3A_55 = tpu.memref_slice %arg10[%mul3A_4, %dma_start3A_54] : memref<10000x128xf32, #tpu.memory_space<vmem_shared>> -> memref<624x128xf32, #tpu.memory_space<vmem_shared>>
      %dma_start3A_56 = arith.constant 0 : i32
      %dma_start3A_57 = tpu.memref_slice %arg4[%mul3A_2, %dma_start3A_56] : memref<10000x128xf32, #tpu.memory_space<hbm>> -> memref<624x128xf32, #tpu.memory_space<hbm>>
      tpu.enqueue_dma source(%dma_start3A_57 : memref<624x128xf32, #tpu.memory_space<hbm>>) target(%dma_start3A_55 : memref<624x128xf32, #tpu.memory_space<vmem_shared>>) target_semaphore(%run_scoped3A_53 : memref<!tpu.dma_semaphore, #tpu.memory_space<semaphore_mem>>)
      %dma_wait3A_58 = arith.constant 0 : i32
      %dma_wait3A_59 = tpu.memref_slice %arg10[%mul3A_4, %dma_wait3A_58] : memref<10000x128xf32, #tpu.memory_space<vmem_shared>> -> memref<624x128xf32, #tpu.memory_space<vmem_shared>>
      %dma_wait3A_60 = arith.constant 0 : i32
      %dma_wait3A_61 = tpu.memref_slice %arg4[%mul3A_2, %dma_wait3A_60] : memref<10000x128xf32, #tpu.memory_space<hbm>> -> memref<624x128xf32, #tpu.memory_space<hbm>>
      tpu.wait_dma2 semaphore(%run_scoped3A_53 : memref<!tpu.dma_semaphore, #tpu.memory_space<semaphore_mem>>) src(%dma_wait3A_61 : memref<624x128xf32, #tpu.memory_space<hbm>>) dst(%dma_wait3A_59 : memref<624x128xf32, #tpu.memory_space<vmem_shared>>)
      tpu.yield
    }) : () -> ()
    %eq3A = arith.constant 15 : i32
    %eq3A_5 = arith.cmpi eq, %arg1, %eq3A : i32
    %convert_element_type3A = arith.extui %eq3A_5 : i1 to i32
    %cond3A = arith.constant 0 : i32
    %cond3A_6 = arith.cmpi ne, %convert_element_type3A, %cond3A : i32
    scf.if %cond3A_6 {
      "tpu.region"() ({
        %run_scoped3A_53 = tpu.sem_alloc : memref<!tpu.dma_semaphore, #tpu.memory_space<semaphore_mem>>
        %dma_start3A_54 = arith.constant 9984 : i32
        %dma_start3A_55 = arith.constant 0 : i32
        %dma_start3A_56 = tpu.memref_slice %arg10[%dma_start3A_54, %dma_start3A_55] : memref<10000x128xf32, #tpu.memory_space<vmem_shared>> -> memref<16x128xf32, #tpu.memory_space<vmem_shared>>
        %dma_start3A_57 = arith.constant 9984 : i32
        %dma_start3A_58 = arith.constant 0 : i32
        %dma_start3A_59 = tpu.memref_slice %arg4[%dma_start3A_57, %dma_start3A_58] : memref<10000x128xf32, #tpu.memory_space<hbm>> -> memref<16x128xf32, #tpu.memory_space<hbm>>
        tpu.enqueue_dma source(%dma_start3A_59 : memref<16x128xf32, #tpu.memory_space<hbm>>) target(%dma_start3A_56 : memref<16x128xf32, #tpu.memory_space<vmem_shared>>) target_semaphore(%run_scoped3A_53 : memref<!tpu.dma_semaphore, #tpu.memory_space<semaphore_mem>>)
        %dma_wait3A_60 = arith.constant 9984 : i32
        %dma_wait3A_61 = arith.constant 0 : i32
        %dma_wait3A_62 = tpu.memref_slice %arg10[%dma_wait3A_60, %dma_wait3A_61] : memref<10000x128xf32, #tpu.memory_space<vmem_shared>> -> memref<16x128xf32, #tpu.memory_space<vmem_shared>>
        %dma_wait3A_63 = arith.constant 9984 : i32
        %dma_wait3A_64 = arith.constant 0 : i32
        %dma_wait3A_65 = tpu.memref_slice %arg4[%dma_wait3A_63, %dma_wait3A_64] : memref<10000x128xf32, #tpu.memory_space<hbm>> -> memref<16x128xf32, #tpu.memory_space<hbm>>
        tpu.wait_dma2 semaphore(%run_scoped3A_53 : memref<!tpu.dma_semaphore, #tpu.memory_space<semaphore_mem>>) src(%dma_wait3A_65 : memref<16x128xf32, #tpu.memory_space<hbm>>) dst(%dma_wait3A_62 : memref<16x128xf32, #tpu.memory_space<vmem_shared>>)
        tpu.yield
      }) : () -> ()
    } else {
    }
    "tpu.region"() ({
      %run_scoped3A_53 = tpu.sem_alloc : memref<!tpu.dma_semaphore, #tpu.memory_space<semaphore_mem>>
      %dma_start3A_54 = arith.constant 0 : i32
      %dma_start3A_55 = arith.constant 0 : i32
      %dma_start3A_56 = tpu.memref_slice %arg3[%add3A, %dma_start3A_54, %dma_start3A_55] : memref<32x125x80xi32, #tpu.memory_space<hbm>> -> memref<1x125x80xi32, #tpu.memory_space<hbm>>
      %dma_start3A_57 = tpu.memref_squeeze %dma_start3A_56 : memref<1x125x80xi32, #tpu.memory_space<hbm>> -> memref<125x80xi32, #tpu.memory_space<hbm>>
      %dma_start3A_58 = arith.constant 0 : i32
      %dma_start3A_59 = arith.constant 0 : i32
      %dma_start3A_60 = tpu.memref_slice %arg3[%add3A, %dma_start3A_58, %dma_start3A_59] : memref<32x125x80xi32, #tpu.memory_space<hbm>> -> memref<1x125x80xi32, #tpu.memory_space<hbm>>
      %dma_start3A_61 = tpu.memref_squeeze %dma_start3A_60 : memref<1x125x80xi32, #tpu.memory_space<hbm>> -> memref<125x80xi32, #tpu.memory_space<hbm>>
      tpu.enqueue_dma source(%dma_start3A_61 : memref<125x80xi32, #tpu.memory_space<hbm>>) target(%arg6 : memref<125x80xi32, #tpu.memory_space<vmem>>) target_semaphore(%run_scoped3A_53 : memref<!tpu.dma_semaphore, #tpu.memory_space<semaphore_mem>>)
      %dma_wait3A_62 = arith.constant 0 : i32
      %dma_wait3A_63 = arith.constant 0 : i32
      %dma_wait3A_64 = tpu.memref_slice %arg3[%add3A, %dma_wait3A_62, %dma_wait3A_63] : memref<32x125x80xi32, #tpu.memory_space<hbm>> -> memref<1x125x80xi32, #tpu.memory_space<hbm>>
      %dma_wait3A_65 = tpu.memref_squeeze %dma_wait3A_64 : memref<1x125x80xi32, #tpu.memory_space<hbm>> -> memref<125x80xi32, #tpu.memory_space<hbm>>
      %dma_wait3A_66 = arith.constant 0 : i32
      %dma_wait3A_67 = arith.constant 0 : i32
      %dma_wait3A_68 = tpu.memref_slice %arg3[%add3A, %dma_wait3A_66, %dma_wait3A_67] : memref<32x125x80xi32, #tpu.memory_space<hbm>> -> memref<1x125x80xi32, #tpu.memory_space<hbm>>
      %dma_wait3A_69 = tpu.memref_squeeze %dma_wait3A_68 : memref<1x125x80xi32, #tpu.memory_space<hbm>> -> memref<125x80xi32, #tpu.memory_space<hbm>>
      tpu.wait_dma2 semaphore(%run_scoped3A_53 : memref<!tpu.dma_semaphore, #tpu.memory_space<semaphore_mem>>) src(%dma_wait3A_69 : memref<125x80xi32, #tpu.memory_space<hbm>>) dst(%arg6 : memref<125x80xi32, #tpu.memory_space<vmem>>)
      tpu.yield
    }) : () -> ()
    %barrier3A = arith.constant 0 : index
    tpu.barrier barrier_id(%barrier3A)
    %scan3A = arith.constant 0 : i32
    %scan3A_7 = arith.constant 0 : i32
    %scan3A_8 = arith.constant 5 : i32
    %scan3A_9 = arith.addi %scan3A_7, %scan3A_8 : i32
    %scan3A_10 = arith.constant 1 : i32
    %scan3A_11 = scf.for %scan3A_53 = %scan3A_7 to %scan3A_9 step %scan3A_10 iter_args(%scan3A_54 = %scan3A) -> (i32)  : i32 {
      %mul3A_55 = arith.constant 16 : i32
      %mul3A_56 = arith.muli %scan3A_53, %mul3A_55 : i32
      %get3A = arith.constant 0 : i32
      %get3A_57 = arith.index_cast %get3A : i32 to index
      %get3A_58 = arith.index_cast %mul3A_56 : i32 to index
      %get3A_59 = tpu.vector_load %arg6[%get3A_57, %get3A_58] {strides = array<i32>} : memref<125x80xi32, #tpu.memory_space<vmem>>, vector<1x16xi32>,
      %get3A_60 = vector.shape_cast %get3A_59 : vector<1x16xi32> to vector<16xi32>
      %and3A = arith.constant 16383 : i32
      %and3A_61 = vector.broadcast %and3A : i32 to vector<16xi32>
      %and3A_62 = arith.andi %get3A_60, %and3A_61 : vector<16xi32>
      %swap3A = arith.constant 0 : i32
      %swap3A_63 = arith.index_cast %swap3A : i32 to index
      %swap3A_64 = arith.index_cast %mul3A_56 : i32 to index
      %swap3A_65 = tpu.vector_load %arg8[%swap3A_63, %swap3A_64] {strides = array<i32>} : memref<2x80xi32, #tpu.memory_space<vmem>>, vector<1x16xi32>,
      %swap3A_66 = vector.shape_cast %swap3A_65 : vector<1x16xi32> to vector<16xi32>
      %swap3A_67 = vector.shape_cast %and3A_62 : vector<16xi32> to vector<1x16xi32>
      tpu.vector_store %arg8[%swap3A_63, %swap3A_64], %swap3A_67 {strides = array<i32>} : memref<2x80xi32, #tpu.memory_space<vmem>>, vector<1x16xi32>,
      %shift_right_logical3A = arith.constant 14 : i32
      %shift_right_logical3A_68 = vector.broadcast %shift_right_logical3A : i32 to vector<16xi32>
      %shift_right_logical3A_69 = arith.shrui %get3A_60, %shift_right_logical3A_68 : vector<16xi32>
      %swap3A_70 = arith.constant 0 : i32
      %swap3A_71 = arith.index_cast %swap3A_70 : i32 to index
      %swap3A_72 = arith.index_cast %mul3A_56 : i32 to index
      %swap3A_73 = tpu.vector_load %arg7[%swap3A_71, %swap3A_72] {strides = array<i32>} : memref<2x80xi32, #tpu.memory_space<vmem>>, vector<1x16xi32>,
      %swap3A_74 = vector.shape_cast %swap3A_73 : vector<1x16xi32> to vector<16xi32>
      %swap3A_75 = vector.shape_cast %shift_right_logical3A_69 : vector<16xi32> to vector<1x16xi32>
      tpu.vector_store %arg7[%swap3A_71, %swap3A_72], %swap3A_75 {strides = array<i32>} : memref<2x80xi32, #tpu.memory_space<vmem>>, vector<1x16xi32>,
      %scan3A_76 = arith.constant 0 : i32
      scf.yield %scan3A_76 : i32
    }
    %scan3A_12 = arith.constant 5 : i32
    %dma_start3A = arith.constant 0 : i32
    %dma_start3A_13 = arith.constant 0 : i32
    %dma_start3A_14 = arith.constant 0 : i32
    %dma_start3A_15 = arith.constant 0 : i32
    %dma_start3A_16 = tpu.memref_slice %arg9[%dma_start3A_13, %dma_start3A_14, %dma_start3A_15] : memref<2x80x128xf32, #tpu.memory_space<vmem>> -> memref<1x80x128xf32, #tpu.memory_space<vmem>>
    %dma_start3A_17 = tpu.memref_squeeze %dma_start3A_16 : memref<1x80x128xf32, #tpu.memory_space<vmem>> -> memref<80x128xf32, #tpu.memory_space<vmem>>
    %dma_start3A_18 = arith.constant 0 : i32
    %dma_start3A_19 = tpu.memref_slice %arg7[%dma_start3A, %dma_start3A_18] : memref<2x80xi32, #tpu.memory_space<vmem>> -> memref<1x80xi32, #tpu.memory_space<vmem>>
    %dma_start3A_20 = tpu.memref_squeeze %dma_start3A_19 : memref<1x80xi32, #tpu.memory_space<vmem>> -> memref<80xi32, #tpu.memory_space<vmem>>
    %dma_start3A_21 = arith.constant 0 : i32
    %dma_start3A_22 = arith.constant 0 : i32
    %dma_start3A_23 = tpu.memref_slice %arg2[%dma_start3A_21, %dma_start3A_22] : memref<80000x128xf32, #tpu.memory_space<hbm>> -> memref<80000x128xf32, #tpu.memory_space<hbm>>
    tpu.enqueue_indirect_dma source(%dma_start3A_23 : memref<80000x128xf32, #tpu.memory_space<hbm>>) target(%dma_start3A_17 : memref<80x128xf32, #tpu.memory_space<vmem>>) offsets(%dma_start3A_20 : memref<80xi32, #tpu.memory_space<vmem>>) semaphore(%arg11 : memref<!tpu.dma_semaphore, #tpu.memory_space<semaphore_mem>>)
    %scan3A_24 = arith.constant 0 : i32
    %scan3A_25 = arith.constant 0 : i32
    %scan3A_26 = arith.constant 62 : i32
    %scan3A_27 = arith.addi %scan3A_25, %scan3A_26 : i32
    %scan3A_28 = arith.constant 1 : i32
    %scan3A_29 = scf.for %scan3A_53 = %scan3A_25 to %scan3A_27 step %scan3A_28 iter_args(%scan3A_54 = %scan3A_24) -> (i32)  : i32 {
      %mul3A_55 = arith.constant 2 : i32
      %mul3A_56 = arith.muli %mul3A_55, %scan3A_53 : i32
      %add3A_57 = arith.constant 0 : i32
      %add3A_58 = arith.addi %mul3A_56, %add3A_57 : i32
      %add3A_59 = arith.constant 1 : i32
      %add3A_60 = arith.addi %add3A_58, %add3A_59 : i32
      %lt3A = arith.constant 125 : i32
      %lt3A_61 = arith.cmpi slt, %add3A_60, %lt3A : i32
      %convert_element_type3A_62 = arith.extui %lt3A_61 : i1 to i32
      %cond3A_63 = arith.constant 0 : i32
      %cond3A_64 = arith.cmpi ne, %convert_element_type3A_62, %cond3A_63 : i32
      scf.if %cond3A_64 {
        %add3A_105 = arith.constant 1 : i32
        %add3A_106 = arith.addi %add3A_58, %add3A_105 : i32
        %scan3A_107 = arith.constant 0 : i32
        %scan3A_108 = arith.constant 0 : i32
        %scan3A_109 = arith.constant 5 : i32
        %scan3A_110 = arith.addi %scan3A_108, %scan3A_109 : i32
        %scan3A_111 = arith.constant 1 : i32
        %scan3A_112 = scf.for %scan3A_126 = %scan3A_108 to %scan3A_110 step %scan3A_111 iter_args(%scan3A_127 = %scan3A_107) -> (i32)  : i32 {
          %mul3A_128 = arith.constant 16 : i32
          %mul3A_129 = arith.muli %scan3A_126, %mul3A_128 : i32
          %get3A = arith.index_cast %add3A_106 : i32 to index
          %get3A_130 = arith.index_cast %mul3A_129 : i32 to index
          %get3A_131 = tpu.vector_load %arg6[%get3A, %get3A_130] {strides = array<i32>} : memref<125x80xi32, #tpu.memory_space<vmem>>, vector<1x16xi32>,
          %get3A_132 = vector.shape_cast %get3A_131 : vector<1x16xi32> to vector<16xi32>
          %and3A = arith.constant 16383 : i32
          %and3A_133 = vector.broadcast %and3A : i32 to vector<16xi32>
          %and3A_134 = arith.andi %get3A_132, %and3A_133 : vector<16xi32>
          %swap3A = arith.constant 1 : i32
          %swap3A_135 = arith.index_cast %swap3A : i32 to index
          %swap3A_136 = arith.index_cast %mul3A_129 : i32 to index
          %swap3A_137 = tpu.vector_load %arg8[%swap3A_135, %swap3A_136] {strides = array<i32>} : memref<2x80xi32, #tpu.memory_space<vmem>>, vector<1x16xi32>,
          %swap3A_138 = vector.shape_cast %swap3A_137 : vector<1x16xi32> to vector<16xi32>
          %swap3A_139 = vector.shape_cast %and3A_134 : vector<16xi32> to vector<1x16xi32>
          tpu.vector_store %arg8[%swap3A_135, %swap3A_136], %swap3A_139 {strides = array<i32>} : memref<2x80xi32, #tpu.memory_space<vmem>>, vector<1x16xi32>,
          %shift_right_logical3A = arith.constant 14 : i32
          %shift_right_logical3A_140 = vector.broadcast %shift_right_logical3A : i32 to vector<16xi32>
          %shift_right_logical3A_141 = arith.shrui %get3A_132, %shift_right_logical3A_140 : vector<16xi32>
          %swap3A_142 = arith.constant 1 : i32
          %swap3A_143 = arith.index_cast %swap3A_142 : i32 to index
          %swap3A_144 = arith.index_cast %mul3A_129 : i32 to index
          %swap3A_145 = tpu.vector_load %arg7[%swap3A_143, %swap3A_144] {strides = array<i32>} : memref<2x80xi32, #tpu.memory_space<vmem>>, vector<1x16xi32>,
          %swap3A_146 = vector.shape_cast %swap3A_145 : vector<1x16xi32> to vector<16xi32>
          %swap3A_147 = vector.shape_cast %shift_right_logical3A_141 : vector<16xi32> to vector<1x16xi32>
          tpu.vector_store %arg7[%swap3A_143, %swap3A_144], %swap3A_147 {strides = array<i32>} : memref<2x80xi32, #tpu.memory_space<vmem>>, vector<1x16xi32>,
          %scan3A_148 = arith.constant 0 : i32
          scf.yield %scan3A_148 : i32
        }
        %scan3A_113 = arith.constant 5 : i32
        %dma_start3A_114 = arith.constant 1 : i32
        %dma_start3A_115 = arith.constant 1 : i32
        %dma_start3A_116 = arith.constant 0 : i32
        %dma_start3A_117 = arith.constant 0 : i32
        %dma_start3A_118 = tpu.memref_slice %arg9[%dma_start3A_115, %dma_start3A_116, %dma_start3A_117] : memref<2x80x128xf32, #tpu.memory_space<vmem>> -> memref<1x80x128xf32, #tpu.memory_space<vmem>>
        %dma_start3A_119 = tpu.memref_squeeze %dma_start3A_118 : memref<1x80x128xf32, #tpu.memory_space<vmem>> -> memref<80x128xf32, #tpu.memory_space<vmem>>
        %dma_start3A_120 = arith.constant 0 : i32
        %dma_start3A_121 = tpu.memref_slice %arg7[%dma_start3A_114, %dma_start3A_120] : memref<2x80xi32, #tpu.memory_space<vmem>> -> memref<1x80xi32, #tpu.memory_space<vmem>>
        %dma_start3A_122 = tpu.memref_squeeze %dma_start3A_121 : memref<1x80xi32, #tpu.memory_space<vmem>> -> memref<80xi32, #tpu.memory_space<vmem>>
        %dma_start3A_123 = arith.constant 0 : i32
        %dma_start3A_124 = arith.constant 0 : i32
        %dma_start3A_125 = tpu.memref_slice %arg2[%dma_start3A_123, %dma_start3A_124] : memref<80000x128xf32, #tpu.memory_space<hbm>> -> memref<80000x128xf32, #tpu.memory_space<hbm>>
        tpu.enqueue_indirect_dma source(%dma_start3A_125 : memref<80000x128xf32, #tpu.memory_space<hbm>>) target(%dma_start3A_119 : memref<80x128xf32, #tpu.memory_space<vmem>>) offsets(%dma_start3A_122 : memref<80xi32, #tpu.memory_space<vmem>>) semaphore(%arg11 : memref<!tpu.dma_semaphore, #tpu.memory_space<semaphore_mem>>)
      } else {
      }
      %dma_wait3A_65 = arith.constant 0 : i32
      %dma_wait3A_66 = arith.constant 0 : i32
      %dma_wait3A_67 = arith.constant 0 : i32
      %dma_wait3A_68 = arith.constant 0 : i32
      %dma_wait3A_69 = tpu.memref_slice %arg9[%dma_wait3A_66, %dma_wait3A_67, %dma_wait3A_68] : memref<2x80x128xf32, #tpu.memory_space<vmem>> -> memref<1x80x128xf32, #tpu.memory_space<vmem>>
      %dma_wait3A_70 = tpu.memref_squeeze %dma_wait3A_69 : memref<1x80x128xf32, #tpu.memory_space<vmem>> -> memref<80x128xf32, #tpu.memory_space<vmem>>
      %dma_wait3A_71 = arith.constant 0 : i32
      %dma_wait3A_72 = tpu.memref_slice %arg7[%dma_wait3A_65, %dma_wait3A_71] : memref<2x80xi32, #tpu.memory_space<vmem>> -> memref<1x80xi32, #tpu.memory_space<vmem>>
      %dma_wait3A_73 = tpu.memref_squeeze %dma_wait3A_72 : memref<1x80xi32, #tpu.memory_space<vmem>> -> memref<80xi32, #tpu.memory_space<vmem>>
      %dma_wait3A_74 = arith.constant 0 : i32
      %dma_wait3A_75 = arith.constant 0 : i32
      %dma_wait3A_76 = tpu.memref_slice %arg2[%dma_wait3A_74, %dma_wait3A_75] : memref<80000x128xf32, #tpu.memory_space<hbm>> -> memref<80000x128xf32, #tpu.memory_space<hbm>>
      tpu.wait_indirect_dma semaphore(%arg11 : memref<!tpu.dma_semaphore, #tpu.memory_space<semaphore_mem>>) src(%dma_wait3A_76 : memref<80000x128xf32, #tpu.memory_space<hbm>>) dst(%dma_wait3A_70 : memref<80x128xf32, #tpu.memory_space<vmem>>)
      %run_scoped3A_77 = arith.constant 0 : i32
      %run_scoped3A_78 = arith.constant 0 : i32
      "tpu.region"() ({
        %run_scoped3A_105 = tpu.sem_alloc : memref<!tpu.dma_semaphore, #tpu.memory_space<semaphore_mem>>
        %dma_start3A_106 = arith.constant 0 : i32
        %dma_start3A_107 = arith.constant 0 : i32
        %dma_start3A_108 = tpu.memref_slice %arg9[%run_scoped3A_77, %dma_start3A_106, %dma_start3A_107] : memref<2x80x128xf32, #tpu.memory_space<vmem>> -> memref<1x80x128xf32, #tpu.memory_space<vmem>>
        %dma_start3A_109 = tpu.memref_squeeze %dma_start3A_108 : memref<1x80x128xf32, #tpu.memory_space<vmem>> -> memref<80x128xf32, #tpu.memory_space<vmem>>
        %dma_start3A_110 = arith.constant 0 : i32
        %dma_start3A_111 = tpu.memref_slice %arg8[%run_scoped3A_78, %dma_start3A_110] : memref<2x80xi32, #tpu.memory_space<vmem>> -> memref<1x80xi32, #tpu.memory_space<vmem>>
        %dma_start3A_112 = tpu.memref_squeeze %dma_start3A_111 : memref<1x80xi32, #tpu.memory_space<vmem>> -> memref<80xi32, #tpu.memory_space<vmem>>
        %dma_start3A_113 = arith.constant 0 : i32
        %dma_start3A_114 = arith.constant 0 : i32
        %dma_start3A_115 = tpu.memref_slice %arg10[%dma_start3A_113, %dma_start3A_114] : memref<10000x128xf32, #tpu.memory_space<vmem_shared>> -> memref<10000x128xf32, #tpu.memory_space<vmem_shared>>
        tpu.enqueue_indirect_dma source(%dma_start3A_109 : memref<80x128xf32, #tpu.memory_space<vmem>>) target(%dma_start3A_115 : memref<10000x128xf32, #tpu.memory_space<vmem_shared>>) offsets(%dma_start3A_112 : memref<80xi32, #tpu.memory_space<vmem>>) semaphore(%run_scoped3A_105 : memref<!tpu.dma_semaphore, #tpu.memory_space<semaphore_mem>>) {add = true}
        %dma_wait3A_116 = arith.constant 0 : i32
        %dma_wait3A_117 = arith.constant 0 : i32
        %dma_wait3A_118 = tpu.memref_slice %arg9[%run_scoped3A_77, %dma_wait3A_116, %dma_wait3A_117] : memref<2x80x128xf32, #tpu.memory_space<vmem>> -> memref<1x80x128xf32, #tpu.memory_space<vmem>>
        %dma_wait3A_119 = tpu.memref_squeeze %dma_wait3A_118 : memref<1x80x128xf32, #tpu.memory_space<vmem>> -> memref<80x128xf32, #tpu.memory_space<vmem>>
        %dma_wait3A_120 = arith.constant 0 : i32
        %dma_wait3A_121 = tpu.memref_slice %arg8[%run_scoped3A_78, %dma_wait3A_120] : memref<2x80xi32, #tpu.memory_space<vmem>> -> memref<1x80xi32, #tpu.memory_space<vmem>>
        %dma_wait3A_122 = tpu.memref_squeeze %dma_wait3A_121 : memref<1x80xi32, #tpu.memory_space<vmem>> -> memref<80xi32, #tpu.memory_space<vmem>>
        %dma_wait3A_123 = arith.constant 0 : i32
        %dma_wait3A_124 = arith.constant 0 : i32
        %dma_wait3A_125 = tpu.memref_slice %arg10[%dma_wait3A_123, %dma_wait3A_124] : memref<10000x128xf32, #tpu.memory_space<vmem_shared>> -> memref<10000x128xf32, #tpu.memory_space<vmem_shared>>
        tpu.wait_indirect_dma semaphore(%run_scoped3A_105 : memref<!tpu.dma_semaphore, #tpu.memory_space<semaphore_mem>>) src(%dma_wait3A_119 : memref<80x128xf32, #tpu.memory_space<vmem>>) dst(%dma_wait3A_125 : memref<10000x128xf32, #tpu.memory_space<vmem_shared>>)
        tpu.yield
      }) : () -> ()
      %mul3A_79 = arith.constant 2 : i32
      %mul3A_80 = arith.muli %mul3A_79, %scan3A_53 : i32
      %add3A_81 = arith.constant 1 : i32
      %add3A_82 = arith.addi %mul3A_80, %add3A_81 : i32
      %add3A_83 = arith.constant 1 : i32
      %add3A_84 = arith.addi %add3A_82, %add3A_83 : i32
      %lt3A_85 = arith.constant 125 : i32
      %lt3A_86 = arith.cmpi slt, %add3A_84, %lt3A_85 : i32
      %convert_element_type3A_87 = arith.extui %lt3A_86 : i1 to i32
      %cond3A_88 = arith.constant 0 : i32
      %cond3A_89 = arith.cmpi ne, %convert_element_type3A_87, %cond3A_88 : i32
      scf.if %cond3A_89 {
        %add3A_105 = arith.constant 1 : i32
        %add3A_106 = arith.addi %add3A_82, %add3A_105 : i32
        %scan3A_107 = arith.constant 0 : i32
        %scan3A_108 = arith.constant 0 : i32
        %scan3A_109 = arith.constant 5 : i32
        %scan3A_110 = arith.addi %scan3A_108, %scan3A_109 : i32
        %scan3A_111 = arith.constant 1 : i32
        %scan3A_112 = scf.for %scan3A_126 = %scan3A_108 to %scan3A_110 step %scan3A_111 iter_args(%scan3A_127 = %scan3A_107) -> (i32)  : i32 {
          %mul3A_128 = arith.constant 16 : i32
          %mul3A_129 = arith.muli %scan3A_126, %mul3A_128 : i32
          %get3A = arith.index_cast %add3A_106 : i32 to index
          %get3A_130 = arith.index_cast %mul3A_129 : i32 to index
          %get3A_131 = tpu.vector_load %arg6[%get3A, %get3A_130] {strides = array<i32>} : memref<125x80xi32, #tpu.memory_space<vmem>>, vector<1x16xi32>,
          %get3A_132 = vector.shape_cast %get3A_131 : vector<1x16xi32> to vector<16xi32>
          %and3A = arith.constant 16383 : i32
          %and3A_133 = vector.broadcast %and3A : i32 to vector<16xi32>
          %and3A_134 = arith.andi %get3A_132, %and3A_133 : vector<16xi32>
          %swap3A = arith.constant 0 : i32
          %swap3A_135 = arith.index_cast %swap3A : i32 to index
          %swap3A_136 = arith.index_cast %mul3A_129 : i32 to index
          %swap3A_137 = tpu.vector_load %arg8[%swap3A_135, %swap3A_136] {strides = array<i32>} : memref<2x80xi32, #tpu.memory_space<vmem>>, vector<1x16xi32>,
          %swap3A_138 = vector.shape_cast %swap3A_137 : vector<1x16xi32> to vector<16xi32>
          %swap3A_139 = vector.shape_cast %and3A_134 : vector<16xi32> to vector<1x16xi32>
          tpu.vector_store %arg8[%swap3A_135, %swap3A_136], %swap3A_139 {strides = array<i32>} : memref<2x80xi32, #tpu.memory_space<vmem>>, vector<1x16xi32>,
          %shift_right_logical3A = arith.constant 14 : i32
          %shift_right_logical3A_140 = vector.broadcast %shift_right_logical3A : i32 to vector<16xi32>
          %shift_right_logical3A_141 = arith.shrui %get3A_132, %shift_right_logical3A_140 : vector<16xi32>
          %swap3A_142 = arith.constant 0 : i32
          %swap3A_143 = arith.index_cast %swap3A_142 : i32 to index
          %swap3A_144 = arith.index_cast %mul3A_129 : i32 to index
          %swap3A_145 = tpu.vector_load %arg7[%swap3A_143, %swap3A_144] {strides = array<i32>} : memref<2x80xi32, #tpu.memory_space<vmem>>, vector<1x16xi32>,
          %swap3A_146 = vector.shape_cast %swap3A_145 : vector<1x16xi32> to vector<16xi32>
          %swap3A_147 = vector.shape_cast %shift_right_logical3A_141 : vector<16xi32> to vector<1x16xi32>
          tpu.vector_store %arg7[%swap3A_143, %swap3A_144], %swap3A_147 {strides = array<i32>} : memref<2x80xi32, #tpu.memory_space<vmem>>, vector<1x16xi32>,
          %scan3A_148 = arith.constant 0 : i32
          scf.yield %scan3A_148 : i32
        }
        %scan3A_113 = arith.constant 5 : i32
        %dma_start3A_114 = arith.constant 0 : i32
        %dma_start3A_115 = arith.constant 0 : i32
        %dma_start3A_116 = arith.constant 0 : i32
        %dma_start3A_117 = arith.constant 0 : i32
        %dma_start3A_118 = tpu.memref_slice %arg9[%dma_start3A_115, %dma_start3A_116, %dma_start3A_117] : memref<2x80x128xf32, #tpu.memory_space<vmem>> -> memref<1x80x128xf32, #tpu.memory_space<vmem>>
        %dma_start3A_119 = tpu.memref_squeeze %dma_start3A_118 : memref<1x80x128xf32, #tpu.memory_space<vmem>> -> memref<80x128xf32, #tpu.memory_space<vmem>>
        %dma_start3A_120 = arith.constant 0 : i32
        %dma_start3A_121 = tpu.memref_slice %arg7[%dma_start3A_114, %dma_start3A_120] : memref<2x80xi32, #tpu.memory_space<vmem>> -> memref<1x80xi32, #tpu.memory_space<vmem>>
        %dma_start3A_122 = tpu.memref_squeeze %dma_start3A_121 : memref<1x80xi32, #tpu.memory_space<vmem>> -> memref<80xi32, #tpu.memory_space<vmem>>
        %dma_start3A_123 = arith.constant 0 : i32
        %dma_start3A_124 = arith.constant 0 : i32
        %dma_start3A_125 = tpu.memref_slice %arg2[%dma_start3A_123, %dma_start3A_124] : memref<80000x128xf32, #tpu.memory_space<hbm>> -> memref<80000x128xf32, #tpu.memory_space<hbm>>
        tpu.enqueue_indirect_dma source(%dma_start3A_125 : memref<80000x128xf32, #tpu.memory_space<hbm>>) target(%dma_start3A_119 : memref<80x128xf32, #tpu.memory_space<vmem>>) offsets(%dma_start3A_122 : memref<80xi32, #tpu.memory_space<vmem>>) semaphore(%arg11 : memref<!tpu.dma_semaphore, #tpu.memory_space<semaphore_mem>>)
      } else {
      }
      %dma_wait3A_90 = arith.constant 1 : i32
      %dma_wait3A_91 = arith.constant 1 : i32
      %dma_wait3A_92 = arith.constant 0 : i32
      %dma_wait3A_93 = arith.constant 0 : i32
      %dma_wait3A_94 = tpu.memref_slice %arg9[%dma_wait3A_91, %dma_wait3A_92, %dma_wait3A_93] : memref<2x80x128xf32, #tpu.memory_space<vmem>> -> memref<1x80x128xf32, #tpu.memory_space<vmem>>
      %dma_wait3A_95 = tpu.memref_squeeze %dma_wait3A_94 : memref<1x80x128xf32, #tpu.memory_space<vmem>> -> memref<80x128xf32, #tpu.memory_space<vmem>>
      %dma_wait3A_96 = arith.constant 0 : i32
      %dma_wait3A_97 = tpu.memref_slice %arg7[%dma_wait3A_90, %dma_wait3A_96] : memref<2x80xi32, #tpu.memory_space<vmem>> -> memref<1x80xi32, #tpu.memory_space<vmem>>
      %dma_wait3A_98 = tpu.memref_squeeze %dma_wait3A_97 : memref<1x80xi32, #tpu.memory_space<vmem>> -> memref<80xi32, #tpu.memory_space<vmem>>
      %dma_wait3A_99 = arith.constant 0 : i32
      %dma_wait3A_100 = arith.constant 0 : i32
      %dma_wait3A_101 = tpu.memref_slice %arg2[%dma_wait3A_99, %dma_wait3A_100] : memref<80000x128xf32, #tpu.memory_space<hbm>> -> memref<80000x128xf32, #tpu.memory_space<hbm>>
      tpu.wait_indirect_dma semaphore(%arg11 : memref<!tpu.dma_semaphore, #tpu.memory_space<semaphore_mem>>) src(%dma_wait3A_101 : memref<80000x128xf32, #tpu.memory_space<hbm>>) dst(%dma_wait3A_95 : memref<80x128xf32, #tpu.memory_space<vmem>>)
      %run_scoped3A_102 = arith.constant 1 : i32
      %run_scoped3A_103 = arith.constant 1 : i32
      "tpu.region"() ({
        %run_scoped3A_105 = tpu.sem_alloc : memref<!tpu.dma_semaphore, #tpu.memory_space<semaphore_mem>>
        %dma_start3A_106 = arith.constant 0 : i32
        %dma_start3A_107 = arith.constant 0 : i32
        %dma_start3A_108 = tpu.memref_slice %arg9[%run_scoped3A_102, %dma_start3A_106, %dma_start3A_107] : memref<2x80x128xf32, #tpu.memory_space<vmem>> -> memref<1x80x128xf32, #tpu.memory_space<vmem>>
        %dma_start3A_109 = tpu.memref_squeeze %dma_start3A_108 : memref<1x80x128xf32, #tpu.memory_space<vmem>> -> memref<80x128xf32, #tpu.memory_space<vmem>>
        %dma_start3A_110 = arith.constant 0 : i32
        %dma_start3A_111 = tpu.memref_slice %arg8[%run_scoped3A_103, %dma_start3A_110] : memref<2x80xi32, #tpu.memory_space<vmem>> -> memref<1x80xi32, #tpu.memory_space<vmem>>
        %dma_start3A_112 = tpu.memref_squeeze %dma_start3A_111 : memref<1x80xi32, #tpu.memory_space<vmem>> -> memref<80xi32, #tpu.memory_space<vmem>>
        %dma_start3A_113 = arith.constant 0 : i32
        %dma_start3A_114 = arith.constant 0 : i32
        %dma_start3A_115 = tpu.memref_slice %arg10[%dma_start3A_113, %dma_start3A_114] : memref<10000x128xf32, #tpu.memory_space<vmem_shared>> -> memref<10000x128xf32, #tpu.memory_space<vmem_shared>>
        tpu.enqueue_indirect_dma source(%dma_start3A_109 : memref<80x128xf32, #tpu.memory_space<vmem>>) target(%dma_start3A_115 : memref<10000x128xf32, #tpu.memory_space<vmem_shared>>) offsets(%dma_start3A_112 : memref<80xi32, #tpu.memory_space<vmem>>) semaphore(%run_scoped3A_105 : memref<!tpu.dma_semaphore, #tpu.memory_space<semaphore_mem>>) {add = true}
        %dma_wait3A_116 = arith.constant 0 : i32
        %dma_wait3A_117 = arith.constant 0 : i32
        %dma_wait3A_118 = tpu.memref_slice %arg9[%run_scoped3A_102, %dma_wait3A_116, %dma_wait3A_117] : memref<2x80x128xf32, #tpu.memory_space<vmem>> -> memref<1x80x128xf32, #tpu.memory_space<vmem>>
        %dma_wait3A_119 = tpu.memref_squeeze %dma_wait3A_118 : memref<1x80x128xf32, #tpu.memory_space<vmem>> -> memref<80x128xf32, #tpu.memory_space<vmem>>
        %dma_wait3A_120 = arith.constant 0 : i32
        %dma_wait3A_121 = tpu.memref_slice %arg8[%run_scoped3A_103, %dma_wait3A_120] : memref<2x80xi32, #tpu.memory_space<vmem>> -> memref<1x80xi32, #tpu.memory_space<vmem>>
        %dma_wait3A_122 = tpu.memref_squeeze %dma_wait3A_121 : memref<1x80xi32, #tpu.memory_space<vmem>> -> memref<80xi32, #tpu.memory_space<vmem>>
        %dma_wait3A_123 = arith.constant 0 : i32
        %dma_wait3A_124 = arith.constant 0 : i32
        %dma_wait3A_125 = tpu.memref_slice %arg10[%dma_wait3A_123, %dma_wait3A_124] : memref<10000x128xf32, #tpu.memory_space<vmem_shared>> -> memref<10000x128xf32, #tpu.memory_space<vmem_shared>>
        tpu.wait_indirect_dma semaphore(%run_scoped3A_105 : memref<!tpu.dma_semaphore, #tpu.memory_space<semaphore_mem>>) src(%dma_wait3A_119 : memref<80x128xf32, #tpu.memory_space<vmem>>) dst(%dma_wait3A_125 : memref<10000x128xf32, #tpu.memory_space<vmem_shared>>)
        tpu.yield
      }) : () -> ()
      %scan3A_104 = arith.constant 0 : i32
      scf.yield %scan3A_104 : i32
    }
    %scan3A_30 = arith.constant 62 : i32
    %dma_wait3A = arith.constant 0 : i32
    %dma_wait3A_31 = arith.constant 0 : i32
    %dma_wait3A_32 = arith.constant 0 : i32
    %dma_wait3A_33 = arith.constant 0 : i32
    %dma_wait3A_34 = tpu.memref_slice %arg9[%dma_wait3A_31, %dma_wait3A_32, %dma_wait3A_33] : memref<2x80x128xf32, #tpu.memory_space<vmem>> -> memref<1x80x128xf32, #tpu.memory_space<vmem>>
    %dma_wait3A_35 = tpu.memref_squeeze %dma_wait3A_34 : memref<1x80x128xf32, #tpu.memory_space<vmem>> -> memref<80x128xf32, #tpu.memory_space<vmem>>
    %dma_wait3A_36 = arith.constant 0 : i32
    %dma_wait3A_37 = tpu.memref_slice %arg7[%dma_wait3A, %dma_wait3A_36] : memref<2x80xi32, #tpu.memory_space<vmem>> -> memref<1x80xi32, #tpu.memory_space<vmem>>
    %dma_wait3A_38 = tpu.memref_squeeze %dma_wait3A_37 : memref<1x80xi32, #tpu.memory_space<vmem>> -> memref<80xi32, #tpu.memory_space<vmem>>
    %dma_wait3A_39 = arith.constant 0 : i32
    %dma_wait3A_40 = arith.constant 0 : i32
    %dma_wait3A_41 = tpu.memref_slice %arg2[%dma_wait3A_39, %dma_wait3A_40] : memref<80000x128xf32, #tpu.memory_space<hbm>> -> memref<80000x128xf32, #tpu.memory_space<hbm>>
    tpu.wait_indirect_dma semaphore(%arg11 : memref<!tpu.dma_semaphore, #tpu.memory_space<semaphore_mem>>) src(%dma_wait3A_41 : memref<80000x128xf32, #tpu.memory_space<hbm>>) dst(%dma_wait3A_35 : memref<80x128xf32, #tpu.memory_space<vmem>>)
    %run_scoped3A = arith.constant 0 : i32
    %run_scoped3A_42 = arith.constant 0 : i32
    "tpu.region"() ({
      %run_scoped3A_53 = tpu.sem_alloc : memref<!tpu.dma_semaphore, #tpu.memory_space<semaphore_mem>>
      %dma_start3A_54 = arith.constant 0 : i32
      %dma_start3A_55 = arith.constant 0 : i32
      %dma_start3A_56 = tpu.memref_slice %arg9[%run_scoped3A, %dma_start3A_54, %dma_start3A_55] : memref<2x80x128xf32, #tpu.memory_space<vmem>> -> memref<1x80x128xf32, #tpu.memory_space<vmem>>
      %dma_start3A_57 = tpu.memref_squeeze %dma_start3A_56 : memref<1x80x128xf32, #tpu.memory_space<vmem>> -> memref<80x128xf32, #tpu.memory_space<vmem>>
      %dma_start3A_58 = arith.constant 0 : i32
      %dma_start3A_59 = tpu.memref_slice %arg8[%run_scoped3A_42, %dma_start3A_58] : memref<2x80xi32, #tpu.memory_space<vmem>> -> memref<1x80xi32, #tpu.memory_space<vmem>>
      %dma_start3A_60 = tpu.memref_squeeze %dma_start3A_59 : memref<1x80xi32, #tpu.memory_space<vmem>> -> memref<80xi32, #tpu.memory_space<vmem>>
      %dma_start3A_61 = arith.constant 0 : i32
      %dma_start3A_62 = arith.constant 0 : i32
      %dma_start3A_63 = tpu.memref_slice %arg10[%dma_start3A_61, %dma_start3A_62] : memref<10000x128xf32, #tpu.memory_space<vmem_shared>> -> memref<10000x128xf32, #tpu.memory_space<vmem_shared>>
      tpu.enqueue_indirect_dma source(%dma_start3A_57 : memref<80x128xf32, #tpu.memory_space<vmem>>) target(%dma_start3A_63 : memref<10000x128xf32, #tpu.memory_space<vmem_shared>>) offsets(%dma_start3A_60 : memref<80xi32, #tpu.memory_space<vmem>>) semaphore(%run_scoped3A_53 : memref<!tpu.dma_semaphore, #tpu.memory_space<semaphore_mem>>) {add = true}
      %dma_wait3A_64 = arith.constant 0 : i32
      %dma_wait3A_65 = arith.constant 0 : i32
      %dma_wait3A_66 = tpu.memref_slice %arg9[%run_scoped3A, %dma_wait3A_64, %dma_wait3A_65] : memref<2x80x128xf32, #tpu.memory_space<vmem>> -> memref<1x80x128xf32, #tpu.memory_space<vmem>>
      %dma_wait3A_67 = tpu.memref_squeeze %dma_wait3A_66 : memref<1x80x128xf32, #tpu.memory_space<vmem>> -> memref<80x128xf32, #tpu.memory_space<vmem>>
      %dma_wait3A_68 = arith.constant 0 : i32
      %dma_wait3A_69 = tpu.memref_slice %arg8[%run_scoped3A_42, %dma_wait3A_68] : memref<2x80xi32, #tpu.memory_space<vmem>> -> memref<1x80xi32, #tpu.memory_space<vmem>>
      %dma_wait3A_70 = tpu.memref_squeeze %dma_wait3A_69 : memref<1x80xi32, #tpu.memory_space<vmem>> -> memref<80xi32, #tpu.memory_space<vmem>>
      %dma_wait3A_71 = arith.constant 0 : i32
      %dma_wait3A_72 = arith.constant 0 : i32
      %dma_wait3A_73 = tpu.memref_slice %arg10[%dma_wait3A_71, %dma_wait3A_72] : memref<10000x128xf32, #tpu.memory_space<vmem_shared>> -> memref<10000x128xf32, #tpu.memory_space<vmem_shared>>
      tpu.wait_indirect_dma semaphore(%run_scoped3A_53 : memref<!tpu.dma_semaphore, #tpu.memory_space<semaphore_mem>>) src(%dma_wait3A_67 : memref<80x128xf32, #tpu.memory_space<vmem>>) dst(%dma_wait3A_73 : memref<10000x128xf32, #tpu.memory_space<vmem_shared>>)
      tpu.yield
    }) : () -> ()
    %barrier3A_43 = arith.constant 0 : index
    tpu.barrier barrier_id(%barrier3A_43)
    %mul3A_44 = arith.constant 624 : i32
    %mul3A_45 = arith.muli %arg1, %mul3A_44 : i32
    %mul3A_46 = arith.constant 624 : i32
    %mul3A_47 = arith.muli %arg1, %mul3A_46 : i32
    "tpu.region"() ({
      %run_scoped3A_53 = tpu.sem_alloc : memref<!tpu.dma_semaphore, #tpu.memory_space<semaphore_mem>>
      %dma_start3A_54 = arith.constant 0 : i32
      %dma_start3A_55 = tpu.memref_slice %arg5[%arg0, %mul3A_47, %dma_start3A_54] : memref<2x10000x128xf32, #tpu.memory_space<hbm>> -> memref<1x624x128xf32, #tpu.memory_space<hbm>>
      %dma_start3A_56 = tpu.memref_squeeze %dma_start3A_55 : memref<1x624x128xf32, #tpu.memory_space<hbm>> -> memref<624x128xf32, #tpu.memory_space<hbm>>
      %dma_start3A_57 = arith.constant 0 : i32
      %dma_start3A_58 = tpu.memref_slice %arg10[%mul3A_45, %dma_start3A_57] : memref<10000x128xf32, #tpu.memory_space<vmem_shared>> -> memref<624x128xf32, #tpu.memory_space<vmem_shared>>
      tpu.enqueue_dma source(%dma_start3A_58 : memref<624x128xf32, #tpu.memory_space<vmem_shared>>) target(%dma_start3A_56 : memref<624x128xf32, #tpu.memory_space<hbm>>) target_semaphore(%run_scoped3A_53 : memref<!tpu.dma_semaphore, #tpu.memory_space<semaphore_mem>>)
      %dma_wait3A_59 = arith.constant 0 : i32
      %dma_wait3A_60 = tpu.memref_slice %arg5[%arg0, %mul3A_47, %dma_wait3A_59] : memref<2x10000x128xf32, #tpu.memory_space<hbm>> -> memref<1x624x128xf32, #tpu.memory_space<hbm>>
      %dma_wait3A_61 = tpu.memref_squeeze %dma_wait3A_60 : memref<1x624x128xf32, #tpu.memory_space<hbm>> -> memref<624x128xf32, #tpu.memory_space<hbm>>
      %dma_wait3A_62 = arith.constant 0 : i32
      %dma_wait3A_63 = tpu.memref_slice %arg10[%mul3A_45, %dma_wait3A_62] : memref<10000x128xf32, #tpu.memory_space<vmem_shared>> -> memref<624x128xf32, #tpu.memory_space<vmem_shared>>
      tpu.wait_dma2 semaphore(%run_scoped3A_53 : memref<!tpu.dma_semaphore, #tpu.memory_space<semaphore_mem>>) src(%dma_wait3A_63 : memref<624x128xf32, #tpu.memory_space<vmem_shared>>) dst(%dma_wait3A_61 : memref<624x128xf32, #tpu.memory_space<hbm>>)
      tpu.yield
    }) : () -> ()
    %eq3A_48 = arith.constant 15 : i32
    %eq3A_49 = arith.cmpi eq, %arg1, %eq3A_48 : i32
    %convert_element_type3A_50 = arith.extui %eq3A_49 : i1 to i32
    %cond3A_51 = arith.constant 0 : i32
    %cond3A_52 = arith.cmpi ne, %convert_element_type3A_50, %cond3A_51 : i32
    scf.if %cond3A_52 {
      "tpu.region"() ({
        %run_scoped3A_53 = tpu.sem_alloc : memref<!tpu.dma_semaphore, #tpu.memory_space<semaphore_mem>>
        %dma_start3A_54 = arith.constant 9984 : i32
        %dma_start3A_55 = arith.constant 0 : i32
        %dma_start3A_56 = tpu.memref_slice %arg5[%arg0, %dma_start3A_54, %dma_start3A_55] : memref<2x10000x128xf32, #tpu.memory_space<hbm>> -> memref<1x16x128xf32, #tpu.memory_space<hbm>>
        %dma_start3A_57 = tpu.memref_squeeze %dma_start3A_56 : memref<1x16x128xf32, #tpu.memory_space<hbm>> -> memref<16x128xf32, #tpu.memory_space<hbm>>
        %dma_start3A_58 = arith.constant 9984 : i32
        %dma_start3A_59 = arith.constant 0 : i32
        %dma_start3A_60 = tpu.memref_slice %arg10[%dma_start3A_58, %dma_start3A_59] : memref<10000x128xf32, #tpu.memory_space<vmem_shared>> -> memref<16x128xf32, #tpu.memory_space<vmem_shared>>
        tpu.enqueue_dma source(%dma_start3A_60 : memref<16x128xf32, #tpu.memory_space<vmem_shared>>) target(%dma_start3A_57 : memref<16x128xf32, #tpu.memory_space<hbm>>) target_semaphore(%run_scoped3A_53 : memref<!tpu.dma_semaphore, #tpu.memory_space<semaphore_mem>>)
        %dma_wait3A_61 = arith.constant 9984 : i32
        %dma_wait3A_62 = arith.constant 0 : i32
        %dma_wait3A_63 = tpu.memref_slice %arg5[%arg0, %dma_wait3A_61, %dma_wait3A_62] : memref<2x10000x128xf32, #tpu.memory_space<hbm>> -> memref<1x16x128xf32, #tpu.memory_space<hbm>>
        %dma_wait3A_64 = tpu.memref_squeeze %dma_wait3A_63 : memref<1x16x128xf32, #tpu.memory_space<hbm>> -> memref<16x128xf32, #tpu.memory_space<hbm>>
        %dma_wait3A_65 = arith.constant 9984 : i32
        %dma_wait3A_66 = arith.constant 0 : i32
        %dma_wait3A_67 = tpu.memref_slice %arg10[%dma_wait3A_65, %dma_wait3A_66] : memref<10000x128xf32, #tpu.memory_space<vmem_shared>> -> memref<16x128xf32, #tpu.memory_space<vmem_shared>>
        tpu.wait_dma2 semaphore(%run_scoped3A_53 : memref<!tpu.dma_semaphore, #tpu.memory_space<semaphore_mem>>) src(%dma_wait3A_67 : memref<16x128xf32, #tpu.memory_space<vmem_shared>>) dst(%dma_wait3A_64 : memref<16x128xf32, #tpu.memory_space<hbm>>)
        tpu.yield
      }) : () -> ()
    } else {
    }
    return
  }
}

module attributes {stable_mosaic.version = 14 : i64} {
  func.func @_hall_body(%arg0: i32, %arg1: i32, %arg2: memref<2000x128xf32, #tpu.memory_space<vmem>>, %arg3: memref<4x128x128xf32, #tpu.memory_space<vmem>>, %arg4: memref<8x4xf32, #tpu.memory_space<smem>>, %arg5: memref<1x2000x128xf32, #tpu.memory_space<vmem>>) attributes {dimension_semantics = [#tpu.dimension_semantics<arbitrary>, #tpu.dimension_semantics<arbitrary>], iteration_bounds = array<i64: 5, 8>, scalar_prefetch = 0 : i64, scratch_operands = 0 : i64, tpu.core_type = #tpu.core_type<tc>, window_params = [{transform_indices = @transform_0, window_bounds = array<i64: 2000, 128>}, {pipeline_mode = #tpu.pipeline_mode<synchronous>, transform_indices = @transform_1, window_bounds = array<i64: 4, 128, 128>}, {transform_indices = @transform_2, window_bounds = array<i64: 8, 4>}, {transform_indices = @transform_3, window_bounds = array<i64: 1, 2000, 128>}]} {
    %get3A = arith.index_cast %arg1 : i32 to index
    %get3A_0 = arith.constant 0 : index
    %get3A_1 = memref.load %arg4[%get3A, %get3A_0] : memref<8x4xf32, #tpu.memory_space<smem>>
    %get3A_2 = arith.constant 0 : index
    %get3A_3 = arith.constant 0 : index
    %get3A_4 = arith.constant 0 : index
    %get3A_5 = vector.load %arg3[%get3A_2, %get3A_3, %get3A_4] : memref<4x128x128xf32, #tpu.memory_space<vmem>>, vector<1x128x128xf32>
    %get3A_6 = vector.shape_cast %get3A_5 : vector<1x128x128xf32> to vector<128x128xf32>
    %mul3A = vector.broadcast %get3A_1 : f32 to vector<128x128xf32>
    %mul3A_7 = arith.mulf %mul3A, %get3A_6 : vector<128x128xf32>
    %get3A_8 = arith.index_cast %arg1 : i32 to index
    %get3A_9 = arith.constant 1 : index
    %get3A_10 = memref.load %arg4[%get3A_8, %get3A_9] : memref<8x4xf32, #tpu.memory_space<smem>>
    %get3A_11 = arith.constant 1 : index
    %get3A_12 = arith.constant 0 : index
    %get3A_13 = arith.constant 0 : index
    %get3A_14 = vector.load %arg3[%get3A_11, %get3A_12, %get3A_13] : memref<4x128x128xf32, #tpu.memory_space<vmem>>, vector<1x128x128xf32>
    %get3A_15 = vector.shape_cast %get3A_14 : vector<1x128x128xf32> to vector<128x128xf32>
    %mul3A_16 = vector.broadcast %get3A_10 : f32 to vector<128x128xf32>
    %mul3A_17 = arith.mulf %mul3A_16, %get3A_15 : vector<128x128xf32>
    %add3A = arith.addf %mul3A_7, %mul3A_17 : vector<128x128xf32>
    %get3A_18 = arith.index_cast %arg1 : i32 to index
    %get3A_19 = arith.constant 2 : index
    %get3A_20 = memref.load %arg4[%get3A_18, %get3A_19] : memref<8x4xf32, #tpu.memory_space<smem>>
    %get3A_21 = arith.constant 2 : index
    %get3A_22 = arith.constant 0 : index
    %get3A_23 = arith.constant 0 : index
    %get3A_24 = vector.load %arg3[%get3A_21, %get3A_22, %get3A_23] : memref<4x128x128xf32, #tpu.memory_space<vmem>>, vector<1x128x128xf32>
    %get3A_25 = vector.shape_cast %get3A_24 : vector<1x128x128xf32> to vector<128x128xf32>
    %mul3A_26 = vector.broadcast %get3A_20 : f32 to vector<128x128xf32>
    %mul3A_27 = arith.mulf %mul3A_26, %get3A_25 : vector<128x128xf32>
    %add3A_28 = arith.addf %add3A, %mul3A_27 : vector<128x128xf32>
    %get3A_29 = arith.index_cast %arg1 : i32 to index
    %get3A_30 = arith.constant 3 : index
    %get3A_31 = memref.load %arg4[%get3A_29, %get3A_30] : memref<8x4xf32, #tpu.memory_space<smem>>
    %get3A_32 = arith.constant 3 : index
    %get3A_33 = arith.constant 0 : index
    %get3A_34 = arith.constant 0 : index
    %get3A_35 = vector.load %arg3[%get3A_32, %get3A_33, %get3A_34] : memref<4x128x128xf32, #tpu.memory_space<vmem>>, vector<1x128x128xf32>
    %get3A_36 = vector.shape_cast %get3A_35 : vector<1x128x128xf32> to vector<128x128xf32>
    %mul3A_37 = vector.broadcast %get3A_31 : f32 to vector<128x128xf32>
    %mul3A_38 = arith.mulf %mul3A_37, %get3A_36 : vector<128x128xf32>
    %add3A_39 = arith.addf %add3A_28, %mul3A_38 : vector<128x128xf32>
    %get3A_40 = arith.constant 0 : index
    %get3A_41 = arith.constant 0 : index
    %get3A_42 = vector.load %arg2[%get3A_40, %get3A_41] : memref<2000x128xf32, #tpu.memory_space<vmem>>, vector<2000x128xf32>
    %dot_general3A = arith.constant dense<0.000000e+00> : vector<2000x128xf32>
    %dot_general3A_43 = tpu.matmul %get3A_42, %add3A_39, %dot_general3A {dimension_numbers = #tpu.dot_dimension_numbers<[1], [0], [0], [1], [0, 0, 1, 1], [], []>, transpose_lhs_hint = false} : vector<2000x128xf32>, vector<128x128xf32>, vector<2000x128xf32> -> vector<2000x128xf32>
    %swap3A = arith.constant 0 : index
    %swap3A_44 = arith.constant 0 : index
    %swap3A_45 = arith.constant 0 : index
    %swap3A_46 = vector.load %arg5[%swap3A, %swap3A_44, %swap3A_45] : memref<1x2000x128xf32, #tpu.memory_space<vmem>>, vector<1x2000x128xf32>
    %swap3A_47 = vector.shape_cast %swap3A_46 : vector<1x2000x128xf32> to vector<2000x128xf32>
    %swap3A_48 = vector.shape_cast %dot_general3A_43 : vector<2000x128xf32> to vector<1x2000x128xf32>
    tpu.vector_store %arg5[%swap3A, %swap3A_44, %swap3A_45], %swap3A_48 {strides = array<i32>} : memref<1x2000x128xf32, #tpu.memory_space<vmem>>, vector<1x2000x128xf32>,
    return
  }
  func.func @transform_0(%arg0: i32, %arg1: i32) -> (i32, i32) {
    %c0_i32 = arith.constant 0 : i32
    %c0_i32_0 = arith.constant 0 : i32
    return %arg0, %c0_i32 : i32, i32
  }
  func.func @transform_1(%arg0: i32, %arg1: i32) -> (i32, i32, i32) {
    %c0_i32 = arith.constant 0 : i32
    %c0_i32_0 = arith.constant 0 : i32
    %c0_i32_1 = arith.constant 0 : i32
    %c0_i32_2 = arith.constant 0 : i32
    return %c0_i32, %c0_i32_0, %c0_i32_1 : i32, i32, i32
  }
  func.func @transform_2(%arg0: i32, %arg1: i32) -> (i32, i32) {
    %c0_i32 = arith.constant 0 : i32
    %c0_i32_0 = arith.constant 0 : i32
    %c0_i32_1 = arith.constant 0 : i32
    return %c0_i32, %c0_i32_0 : i32, i32
  }
  func.func @transform_3(%arg0: i32, %arg1: i32) -> (i32, i32, i32) {
    %c0_i32 = arith.constant 0 : i32
    %c0_i32_0 = arith.constant 0 : i32
    return %arg1, %arg0, %c0_i32 : i32, i32, i32
  }
}

module attributes {stable_mosaic.version = 14 : i64} {
  func.func @_mlp_body(%arg0: i32, %arg1: memref<2x2000x128xf32, #tpu.memory_space<vmem>>, %arg2: memref<2000x128xf32, #tpu.memory_space<vmem>>, %arg3: memref<128x128xf32, #tpu.memory_space<vmem>>, %arg4: memref<1x128xf32, #tpu.memory_space<vmem>>, %arg5: memref<128x128xf32, #tpu.memory_space<vmem>>, %arg6: memref<1x128xf32, #tpu.memory_space<vmem>>, %arg7: memref<128x128xf32, #tpu.memory_space<vmem>>, %arg8: memref<1x128xf32, #tpu.memory_space<vmem>>, %arg9: memref<2000x128xf32, #tpu.memory_space<vmem>>) attributes {dimension_semantics = [#tpu.dimension_semantics<arbitrary>], iteration_bounds = array<i64: 5>, scalar_prefetch = 0 : i64, scratch_operands = 0 : i64, tpu.core_type = #tpu.core_type<tc>, window_params = [{transform_indices = @transform_0, window_bounds = array<i64: 2, 2000, 128>}, {transform_indices = @transform_1, window_bounds = array<i64: 2000, 128>}, {pipeline_mode = #tpu.pipeline_mode<synchronous>, transform_indices = @transform_2, window_bounds = array<i64: 128, 128>}, {pipeline_mode = #tpu.pipeline_mode<synchronous>, transform_indices = @transform_3, window_bounds = array<i64: 1, 128>}, {pipeline_mode = #tpu.pipeline_mode<synchronous>, transform_indices = @transform_4, window_bounds = array<i64: 128, 128>}, {pipeline_mode = #tpu.pipeline_mode<synchronous>, transform_indices = @transform_5, window_bounds = array<i64: 1, 128>}, {pipeline_mode = #tpu.pipeline_mode<synchronous>, transform_indices = @transform_6, window_bounds = array<i64: 128, 128>}, {pipeline_mode = #tpu.pipeline_mode<synchronous>, transform_indices = @transform_7, window_bounds = array<i64: 1, 128>}, {transform_indices = @transform_8, window_bounds = array<i64: 2000, 128>}]} {
    %get3A = arith.constant 0 : index
    %get3A_0 = arith.constant 0 : index
    %get3A_1 = arith.constant 0 : index
    %get3A_2 = vector.load %arg1[%get3A, %get3A_0, %get3A_1] : memref<2x2000x128xf32, #tpu.memory_space<vmem>>, vector<1x2000x128xf32>
    %get3A_3 = vector.shape_cast %get3A_2 : vector<1x2000x128xf32> to vector<2000x128xf32>
    %get3A_4 = arith.constant 1 : index
    %get3A_5 = arith.constant 0 : index
    %get3A_6 = arith.constant 0 : index
    %get3A_7 = vector.load %arg1[%get3A_4, %get3A_5, %get3A_6] : memref<2x2000x128xf32, #tpu.memory_space<vmem>>, vector<1x2000x128xf32>
    %get3A_8 = vector.shape_cast %get3A_7 : vector<1x2000x128xf32> to vector<2000x128xf32>
    %add3A = arith.addf %get3A_3, %get3A_8 : vector<2000x128xf32>
    %get3A_9 = arith.constant 0 : index
    %get3A_10 = arith.constant 0 : index
    %get3A_11 = vector.load %arg4[%get3A_9, %get3A_10] : memref<1x128xf32, #tpu.memory_space<vmem>>, vector<1x128xf32>
    %add3A_12 = vector.broadcast %get3A_11 : vector<1x128xf32> to vector<2000x128xf32>
    %add3A_13 = arith.addf %add3A, %add3A_12 : vector<2000x128xf32>
    %get3A_14 = arith.constant 0 : index
    %get3A_15 = arith.constant 0 : index
    %get3A_16 = vector.load %arg2[%get3A_14, %get3A_15] : memref<2000x128xf32, #tpu.memory_space<vmem>>, vector<2000x128xf32>
    %get3A_17 = arith.constant 0 : index
    %get3A_18 = arith.constant 0 : index
    %get3A_19 = vector.load %arg3[%get3A_17, %get3A_18] : memref<128x128xf32, #tpu.memory_space<vmem>>, vector<128x128xf32>
    %dot_general3A = arith.constant dense<0.000000e+00> : vector<2000x128xf32>
    %dot_general3A_20 = tpu.matmul %get3A_16, %get3A_19, %dot_general3A {dimension_numbers = #tpu.dot_dimension_numbers<[1], [0], [0], [1], [0, 0, 1, 1], [], []>, transpose_lhs_hint = false} : vector<2000x128xf32>, vector<128x128xf32>, vector<2000x128xf32> -> vector<2000x128xf32>
    %add3A_21 = arith.addf %add3A_13, %dot_general3A_20 : vector<2000x128xf32>
    %get3A_22 = arith.constant 0 : index
    %get3A_23 = arith.constant 0 : index
    %get3A_24 = vector.load %arg5[%get3A_22, %get3A_23] : memref<128x128xf32, #tpu.memory_space<vmem>>, vector<128x128xf32>
    %dot_general3A_25 = arith.constant dense<0.000000e+00> : vector<2000x128xf32>
    %dot_general3A_26 = tpu.matmul %add3A_21, %get3A_24, %dot_general3A_25 {dimension_numbers = #tpu.dot_dimension_numbers<[1], [0], [0], [1], [0, 0, 1, 1], [], []>, transpose_lhs_hint = false} : vector<2000x128xf32>, vector<128x128xf32>, vector<2000x128xf32> -> vector<2000x128xf32>
    %get3A_27 = arith.constant 0 : index
    %get3A_28 = arith.constant 0 : index
    %get3A_29 = vector.load %arg6[%get3A_27, %get3A_28] : memref<1x128xf32, #tpu.memory_space<vmem>>, vector<1x128xf32>
    %add3A_30 = vector.broadcast %get3A_29 : vector<1x128xf32> to vector<2000x128xf32>
    %add3A_31 = arith.addf %dot_general3A_26, %add3A_30 : vector<2000x128xf32>
    %max3A = arith.constant 0.000000e+00 : f32
    %max3A_32 = vector.broadcast %max3A : f32 to vector<2000x128xf32>
    %max3A_33 = arith.maximumf %add3A_31, %max3A_32 : vector<2000x128xf32>
    %get3A_34 = arith.constant 0 : index
    %get3A_35 = arith.constant 0 : index
    %get3A_36 = vector.load %arg7[%get3A_34, %get3A_35] : memref<128x128xf32, #tpu.memory_space<vmem>>, vector<128x128xf32>
    %dot_general3A_37 = arith.constant dense<0.000000e+00> : vector<2000x128xf32>
    %dot_general3A_38 = tpu.matmul %max3A_33, %get3A_36, %dot_general3A_37 {dimension_numbers = #tpu.dot_dimension_numbers<[1], [0], [0], [1], [0, 0, 1, 1], [], []>, transpose_lhs_hint = false} : vector<2000x128xf32>, vector<128x128xf32>, vector<2000x128xf32> -> vector<2000x128xf32>
    %get3A_39 = arith.constant 0 : index
    %get3A_40 = arith.constant 0 : index
    %get3A_41 = vector.load %arg8[%get3A_39, %get3A_40] : memref<1x128xf32, #tpu.memory_space<vmem>>, vector<1x128xf32>
    %add3A_42 = vector.broadcast %get3A_41 : vector<1x128xf32> to vector<2000x128xf32>
    %add3A_43 = arith.addf %dot_general3A_38, %add3A_42 : vector<2000x128xf32>
    %max3A_44 = arith.constant 0.000000e+00 : f32
    %max3A_45 = vector.broadcast %max3A_44 : f32 to vector<2000x128xf32>
    %max3A_46 = arith.maximumf %add3A_43, %max3A_45 : vector<2000x128xf32>
    %swap3A = arith.constant 0 : index
    %swap3A_47 = arith.constant 0 : index
    %swap3A_48 = vector.load %arg9[%swap3A, %swap3A_47] : memref<2000x128xf32, #tpu.memory_space<vmem>>, vector<2000x128xf32>
    tpu.vector_store %arg9[%swap3A, %swap3A_47], %max3A_46 {strides = array<i32>} : memref<2000x128xf32, #tpu.memory_space<vmem>>, vector<2000x128xf32>,
    return
  }
  func.func @transform_0(%arg0: i32) -> (i32, i32, i32) {
    %c0_i32 = arith.constant 0 : i32
    %c0_i32_0 = arith.constant 0 : i32
    %c0_i32_1 = arith.constant 0 : i32
    return %c0_i32, %arg0, %c0_i32_0 : i32, i32, i32
  }
  func.func @transform_1(%arg0: i32) -> (i32, i32) {
    %c0_i32 = arith.constant 0 : i32
    %c0_i32_0 = arith.constant 0 : i32
    return %arg0, %c0_i32 : i32, i32
  }
  func.func @transform_2(%arg0: i32) -> (i32, i32) {
    %c0_i32 = arith.constant 0 : i32
    %c0_i32_0 = arith.constant 0 : i32
    %c0_i32_1 = arith.constant 0 : i32
    return %c0_i32, %c0_i32_0 : i32, i32
  }
  func.func @transform_3(%arg0: i32) -> (i32, i32) {
    %c0_i32 = arith.constant 0 : i32
    %c0_i32_0 = arith.constant 0 : i32
    %c0_i32_1 = arith.constant 0 : i32
    return %c0_i32, %c0_i32_0 : i32, i32
  }
  func.func @transform_4(%arg0: i32) -> (i32, i32) {
    %c0_i32 = arith.constant 0 : i32
    %c0_i32_0 = arith.constant 0 : i32
    %c0_i32_1 = arith.constant 0 : i32
    return %c0_i32, %c0_i32_0 : i32, i32
  }
  func.func @transform_5(%arg0: i32) -> (i32, i32) {
    %c0_i32 = arith.constant 0 : i32
    %c0_i32_0 = arith.constant 0 : i32
    %c0_i32_1 = arith.constant 0 : i32
    return %c0_i32, %c0_i32_0 : i32, i32
  }
  func.func @transform_6(%arg0: i32) -> (i32, i32) {
    %c0_i32 = arith.constant 0 : i32
    %c0_i32_0 = arith.constant 0 : i32
    %c0_i32_1 = arith.constant 0 : i32
    return %c0_i32, %c0_i32_0 : i32, i32
  }
  func.func @transform_7(%arg0: i32) -> (i32, i32) {
    %c0_i32 = arith.constant 0 : i32
    %c0_i32_0 = arith.constant 0 : i32
    %c0_i32_1 = arith.constant 0 : i32
    return %c0_i32, %c0_i32_0 : i32, i32
  }
  func.func @transform_8(%arg0: i32) -> (i32, i32) {
    %c0_i32 = arith.constant 0 : i32
    %c0_i32_0 = arith.constant 0 : i32
    return %arg0, %c0_i32 : i32, i32
  }
}

</mosaic_0001>

<sc_bundles>
// kernel: kernel.5.cloned.1.call-start
scs
__scs_entry_jumppad:
0x0: {  	(pc) =	sbr.rel $0x88, $3  }
0x1: {  	(tag) =	ssettag $0x0;
	lr =	simm.s32 $0x1  }
0x2: {  	[smem:$0x3F96] =	sst lr;
	_ =	strace $0xD0000000  }
0x3: {  	_ = 	snop  }
0x4: {  	_ = 	snop  }
0x5: {  	_ = 	snop  }
0x6: {  	_ = 	snop  }
0x7: {  	_ = 	snop  }
__scs_overlays_trampoline_lowered:
0x8: {  	[smem:$0x3FA5] =	sst s0  }
0x9: {  	[smem:$0x3FA6] =	sst s1  }
0xa: {  	[smem:$0x3FA7] =	sst s2  }
0xb: {  	[smem:$0x3FA8] =	sst s3  }
0xc: {  	[smem:$0x3FA9] =	sst s4  }
0xd: {  	[smem:$0x3FAA] =	sst s5  }
0xe: {  	[smem:$0x3FAB] =	sst s6  }
0xf: {  	[smem:$0x3FAC] =	sst s7  }
0x10: {  	[smem:$0x3FAD] =	sst s8  }
0x11: {  	[smem:$0x3FAE] =	sst s9;
	s0 =	simm.s32 @!p0 $0x0  }
0x12: {  	s1 =	sld [smem:$0x3F94];
	s0 =	simm.s32 @p0 $0x1  }
0x13: {  	[smem:$0x3FAF] =	sst s0;
	s0 =	simm.s32 @!p1 $0x0  }
0x14: {  	s2 =	sld [smem:$0x3F93];
	s0 =	simm.s32 @p1 $0x1  }
0x15: {  	[smem:$0x3FB0] =	sst s0;
	s0 =	simm.s32 @!p2 $0x0  }
0x16: {  	s3 =	sld [smem:$0x3FDB];
	s0 =	simm.s32 @p2 $0x1  }
0x17: {  	s4 =	simm.s32 $0x1BF5;
	[smem:$0x3FB2] =	sst s0  }
0x18: {  	s0 =	sld [smem:$0x3F95];
	_ =	swait.ge [sflag:s4], $0x0  }
0x19: {  	s7 =	sld [smem:$0x3F96]  }
0x1a: {  	s8 =	sadd.s32 $0xFFFFE003, lr  }
0x1b: {  	s9 =	sadd.s32 $0xFFFFFEF7, lr;
	s5 =	simm.s32 $0xFFFFFFFF;
	p2 =	slt.u32 s8, $0xFFFFF086  }
0x1c: {  	p1 =	slt.u32 s9, $0xF7A;
	s5 =	simm.s32 @!p2 $0x0  }
0x1d: {  	s5 =	simm.s32 @p1 $0x1;
	p0 =	seq.s32 s7, s2  }
0x1e: {  	s7 =	smul.u32 @!p0 $0xF7A, s2;
	p2 =	seq.s32 @!p0 s5, $0x0  }
0x1f: {  	s9 =	smul.u32 $0xF7A, s1;
	s8 =	simm.s32 @!p0 $0x1BF5;
	p2 =	por !p2, p0  }
0x20: {  	[sflag:s8] =	ssyncset.s32 @!p0 $0xFFFFF086;
	s6 =	sadd.s32 @!p0 s3, s7;
	s7 =	simm.s32 @!p0 $0x108  }
0x21: {  	s3 =	sadd.s32 s3, s9;
	s6 =	sadd.s32 @!p0 $0x88, s6;
	s7 =	simm.s32 @p2 $0x1082  }
0x22: {  	[simem:s7], [sflag:s8] =	dma.local @!p0 [hbm:s6], $0xF7A  }
0x23: {  	s9 =	sor.u32 $0xD0000000, s2;
	s6 =	simm.s32 $0x108;
	_ =	swait.ge @!p0 [sflag:s8], $0x0  }
0x24: {  	s3 =	sadd.s32 $0x88, s3;
	s6 =	simm.s32 @!p1 $0x1082;
	[sflag:s4] =	ssyncset.s32 $0xFFFFF086  }
0x25: {  	[simem:s6], [sflag:s4] =	dma.local [hbm:s3], $0xF7A  }
0x26: {  	[smem:$0x3F96] =	sst s1;
	(tag) =	ssettag s2;
	_ =	strace s9  }
0x27: {  	s1 =	sld [smem:$0x3FA6]  }
0x28: {  	s2 =	sld [smem:$0x3FA7]  }
0x29: {  	s4 =	sld [smem:$0x3FA9]  }
0x2a: {  	p0 =	seq.s32 s5, $0x0;
	s5 =	sld [smem:$0x3FAA]  }
0x2b: {  	s6 =	sld [smem:$0x3FAB]  }
0x2c: {  	s7 =	sld [smem:$0x3FAC]  }
0x2d: {  	s3 =	simm.s32 $0x108;
	s8 =	sld [smem:$0x3FAD]  }
0x2e: {  	s3 =	simm.s32 @!p0 $0x1082;
	s9 =	sld [smem:$0x3FAE]  }
0x2f: {  	lr =	sadd.s32 s0, s3;
	s0 =	sld [smem:$0x3FA5]  }
0x30: {  	s3 =	sld [smem:$0x3FA8]  }
0x31: {  	[smem:$0x3FB1] =	sst s10  }
0x32: {  	s10 =	sld [smem:$0x3FAF];
	_ =	sdelay $0x3  }
0x33: {  	p0 =	seq.s32 s10, $0x1;
	s10 =	sld [smem:$0x3FB1];
	_ =	sdelay $0x3  }
0x34: {  	[smem:$0x3FB1] =	sst s10  }
0x35: {  	s10 =	sld [smem:$0x3FB0];
	_ =	sdelay $0x3  }
0x36: {  	p1 =	seq.s32 s10, $0x1;
	s10 =	sld [smem:$0x3FB1];
	_ =	sdelay $0x3  }
0x37: {  	[smem:$0x3FB1] =	sst s10  }
0x38: {  	s10 =	sld [smem:$0x3FB2]  }
0x39: {  	_ = 	snop;
	(pc) =	sbr.ind lr, $3  }
0x3a: {  	_ = 	snop  }
0x3b: {  	_ = 	snop  }
0x3c: {  	p2 =	seq.s32 s10, $0x1;
	s10 =	sld [smem:$0x3FB1]  }
0x3d: {  	_ =	shalt  }
0x3e: {  	_ =	shalt  }
0x3f: {  	_ =	shalt  }
0x40: {  	_ =	shalt  }
0x41: {  	_ =	shalt  }
0x42: {  	_ =	shalt  }
0x43: {  	_ =	shalt  }
0x44: {  	_ =	shalt  }
0x45: {  	_ =	shalt  }
0x46: {  	_ =	shalt  }
0x47: {  	_ =	shalt  }
0x48: {  	_ =	shalt  }
0x49: {  	_ =	shalt  }
0x4a: {  	_ =	shalt  }
0x4b: {  	_ =	shalt  }
0x4c: {  	_ =	shalt  }
0x4d: {  	_ =	shalt  }
0x4e: {  	_ =	shalt  }
0x4f: {  	_ =	shalt  }
0x50: {  	_ =	shalt  }
0x51: {  	_ =	shalt  }
0x52: {  	_ =	shalt  }
0x53: {  	_ =	shalt  }
0x54: {  	_ =	shalt  }
0x55: {  	_ =	shalt  }
0x56: {  	_ =	shalt  }
0x57: {  	_ =	shalt  }
0x58: {  	_ =	shalt  }
0x59: {  	_ =	shalt  }
0x5a: {  	_ =	shalt  }
0x5b: {  	_ =	shalt  }
0x5c: {  	_ =	shalt  }
0x5d: {  	_ =	shalt  }
0x5e: {  	_ =	shalt  }
0x5f: {  	_ =	shalt  }
0x60: {  	_ =	shalt  }
0x61: {  	_ =	shalt  }
0x62: {  	_ =	shalt  }
0x63: {  	_ =	shalt  }
0x64: {  	_ =	shalt  }
0x65: {  	_ =	shalt  }
0x66: {  	_ =	shalt  }
0x67: {  	_ =	shalt  }
0x68: {  	_ =	shalt  }
0x69: {  	_ =	shalt  }
0x6a: {  	_ =	shalt  }
0x6b: {  	_ =	shalt  }
0x6c: {  	_ =	shalt  }
0x6d: {  	_ =	shalt  }
0x6e: {  	_ =	shalt  }
0x6f: {  	_ =	shalt  }
0x70: {  	_ =	shalt  }
0x71: {  	_ =	shalt  }
0x72: {  	_ =	shalt  }
0x73: {  	_ =	shalt  }
0x74: {  	_ =	shalt  }
0x75: {  	_ =	shalt  }
0x76: {  	_ =	shalt  }
0x77: {  	_ =	shalt  }
0x78: {  	_ =	shalt  }
0x79: {  	_ =	shalt  }
0x7a: {  	_ =	shalt  }
0x7b: {  	_ =	shalt  }
0x7c: {  	_ =	shalt  }
0x7d: {  	_ =	shalt  }
0x7e: {  	_ =	shalt  }
0x7f: {  	_ =	shalt  }
0x80: {  	_ =	shalt  }
0x81: {  	_ =	shalt  }
0x82: {  	_ =	shalt  }
0x83: {  	_ =	shalt  }
0x84: {  	_ =	shalt  }
0x85: {  	_ =	shalt  }
0x86: {  	_ =	shalt  }
0x87: {  	_ =	shalt  }
.Lfunc_end0:
.L_simem_size_0:
called_computation_lowered:
.L_overlay_start_0:
0x88: {  	s2 =	sld [smem:$0x3FD9]  }
0x89: {  	s3 =	sld [smem:$0x3FFE];
	_ =	sdelay $0x1  }
0x8a: {  	s1 =	srdreg.scid  }
0x8b: {  	s0 =	sand.u32 $0x1, s1  }
0x8c: {  	s17 =	sshll.u32 s0, $0xA;
	s2 =	sadd.s32 s3, s2  }
0x8d: {  	s2 =	sadd.s32 s2, s17  }
0x8e: {  	[smem:$0x3FBD] =	sst s2  }
0x8f: {  	_ = 	snop  }
0x90: {  	s2 =	sld [smem:$0x3FD0];
	(tm) =	ssettm $0x1  }
0x91: {  	s18 =	sld [smem:$0x3FFB];
	_ =	sdelay $0x3  }
0x92: {  	_ =	strace s18  }
0x93: {  	s3 =	sld [smem:$0x3FFC];
	_ =	sdelay $0x3  }
0x94: {  	_ =	strace s3  }
0x95: {  	s3 =	sld [smem:$0x3FFD];
	_ =	sdelay $0x3  }
0x96: {  	_ =	strace s3  }
0x97: {  	_ =	strace $0x8FFFFFFF  }
0x98: {  	s19 =	sld [smem:$0x3FDB];
	_ =	sdelay $0x1  }
0x99: {  	s4 =	simm.s32 $_scs_section_size  }
0x9a: {  	s5 =	simm.s32 $_size__tile_overlayer_lowered;
	s6 =	simm.s32 $_tile_overlayer_lowered  }
0x9b: {  	s22 =	simm.s32 $0x1BFF;
	s21 =	sshll.u32 s6, $0x1;
	s3 =	sadd.s32 s4, s19  }
0x9c: {  	s7 =	simm.s32 $0x0;
	s20 =	sshll.u32 s5, $0x1;
	s5 =	sadd.s32 s21, s3  }
0x9d: {  	[timem:s7], [sflag:s22] =	dma.local [hbm:s5], s20  }
0x9e: {  	_ =	swait.ge [sflag:s22], s20  }
0x9f: {  	s4 =	ssub.s32 $0x0, s20;
	[sflag:s22] =	ssyncset.done $0x0  }
0xa0: {  	[sflag:s22] =	ssyncadd.s32 s4;
	_ =	sdelay $0x1  }
0xa1: {  	s23 =	simm.s32 $0x1B8B  }
0xa2: {  	_ =	swait.ge [sflag:s23], $0x1  }
0xa3: {  	[sflag:s23] =	ssyncset.done $0x0  }
0xa4: {  	s25 =	simm.s32 $0x1B8E;
	s24 =	sld [smem:$0x3FFE];
	[sflag:s23] =	ssyncadd.s32 $0xFFFFFFFF  }
0xa5: {  	s26 =	simm.s32 $execute0_lowered;
	[smem:$0x3FD2] =	sst s25  }
0xa6: {  	s5 =	sshll.u32 s26, $0x1;
	_ =	strace $0x80000046;
	[dreg:$0x1] =	wrdreg $0xFFFFFFFF  }
0xa7: {  	s28 =	simm.s32 $_size_execute0_lowered;
	s3 =	sadd.s32 s3, s5;
	[dreg:$0x0] =	wrdreg $0x0  }
0xa8: {  	s5 =	sshll.u32 s28, $0x1;
	[dreg:$0x2] =	wrdreg s3  }
0xa9: {  	[dreg:$0x3] =	wrdreg s5  }
0xaa: {  	[dreg:$0x4] =	wrdreg $0xC0  }
0xab: {  	_ =	task [dreg:s7], $0x5FFFF  }
0xac: {  	[dreg:$0x1] =	wrdreg $0xFFFFFFFF  }
0xad: {  	[dreg:$0x0] =	wrdreg $0x60  }
0xae: {  	[dreg:$0x2] =	wrdreg s24  }
0xaf: {  	[dreg:$0x3] =	wrdreg s2  }
0xb0: {  	[dreg:$0x4] =	wrdreg $0x92000  }
0xb1: {  	[dreg:$0x5] =	wrdreg $0x9  }
0xb2: {  	_ =	task.clear_ibuf [dreg:s7], $0x6FFFF;
	_ =	strace $0x90000046  }
0xb3: {  	s29 =	simm.s32 $0x9;
	_ =	strace $0x80000048  }
0xb4: {  	_ =	swait.ge [sflag:s29], $0x1  }
0xb5: {  	[sflag:s29] =	ssyncadd.s32 $0xFFFFFFFF  }
0xb6: {  	_ =	strace $0x90000048  }
0xb7: {  	_ =	sfence  }
0xb8: {  	s30 =	sld [smem:$0x0];
	_ =	sdelay $0x2  }
0xb9: {  	s31 =	sshll.u32 s1, $0xD;
	s1 =	sshrl.u32 s1, $0x2  }
0xba: {  	s3 =	sand.u32 $0x4000, s31;
	s1 =	sadd.s32 s1, s30  }
0xbb: {  	s0 =	sor.u32 s3, s0;
	s1 =	sshll.u32 s1, $0x11  }
0xbc: {  	s0 =	sor.u32 s1, s0  }
0xbd: {  	s0 =	sadd.s32 $0x8F2B, s0  }
0xbe: {  	[sflag:s0] =	ssyncadd.remote.s32 $0x1  }
0xbf: {  	_ =	sfence.sel $0xFFFF  }
0xc0: {  	[dreg:$0x0] =	wrdreg $0xFFFFFFFF;
	(pc) =	sbr.abs _section_cstart, $3  }
0xc1: {  	[dreg:$0x1] =	wrdreg $0xFFFFFFFF  }
0xc2: {  	_ =	task.clear_ibuf [dreg:s7], $0x2FFFF;
	_ =	strace $0x9FFFFFFF  }
0xc3: {  	(tm) =	ssettm $0x7FFFFFFF  }
tec
execute0_lowered:
.L_overlay_start_1:
0x0: {  	(tag) =	ssettag $0x1  }
0x1: {  	s5 =	rddreg [dreg:$0x0]  }
0x2: {  	s7 =	rddreg [dreg:$0x1]  }
0x3: {  	s1 =	rddreg [dreg:$0x2]  }
0x4: {  	s0 =	rddreg [dreg:$0x3];
	s3 =	simm.s32 $0x0;
	s2 =	stileid.u32  }
0x5: {  	s4 =	srdreg.scid;
	s16 =	simm.s32 $0x4000;
	s17 =	simm.s32 $0x4200  }
0x6: {  	s18 =	simm.s32 $0x4080;
	s19 =	simm.s32 $0x6A00;
	s20 =	simm.s32 $0x1  }
0x7: {  	s21 =	simm.s32 $0x4100;
	s22 =	simm.s32 $0x4180;
	s23 =	simm.s32 $0x0  }
0x8: {  	[smem:$0x7FF] =	sst s3;
	s6 =	sshll.u32 s2, $0xB;
	s9 =	smul.u32 $0x4E000, s2  }
0x9: {  	s8 =	sand.u32 $0x1, s4;
	s4 =	sadd.s32 $0x11400, s5;
	s12 =	smul.u32 $0x13800, s2  }
0xa: {  	s13 =	sadd.s32 $0x149C00, s5;
	s26 =	sshll.u32 s2, $0x6;
	s15 =	sadd.s32 $0x138000, s1  }
0xb: {  	p0 =	sne.s32 s2, $0xF;
	_ =	strace $0x80000047;
	s10 =	sadd.s32 s6, s5  }
0xc: {  	s24 =	ssub.s32 $0x2, s8;
	s28 =	smul.u32 $0x138800, s8;
	s6 =	sor.u32 $0x1C02, s26  }
0xd: {  	s8 =	sshll.u32 s8, $0xF;
	s11 =	sshrl.u32 s24, $0x1;
	s9 =	sshrl.u32 s9, $0x2  }
0xe: {  	s25 =	sshrl.u32 s12, $0x3;
	s8 =	sadd.s32 s8, s10;
	s11 =	ssub.s32 s24, s11  }
0xf: {  	s14 =	sadd.s32 s9, s1;
	s5 =	sadd.s32 s7, s25;
	s7 =	sadd.s32 $0x27000, s7  }
0x10: {  	s12 =	sadd.s32 s12, s28;
	s30 =	sshrl.u32 s28, $0x3;
	s8 =	sadd.s32 $0x1400, s8  }
0x11: {  	s29 =	sshrl.u32 s12, $0x3;
	s31 =	sadd.s32 s13, s30;
	s11 =	smax.u32 s11, $0x1  }
0x12: {  	s12 =	sshrl.u32 s14, $0x3;
	s14 =	sshrl.u32 @!p0 s15, $0x3;
	s15 =	simm.s32 $0x50  }
0x13: {  	s9 =	sadd.s32 s13, s29;
	s10 =	sadd.s32 $0x27000, s31;
	s13 =	simm.s32 $0x2  }
.LBB2_1:
0x14: {  	[spmem:s12], [sflag:s6] =	dma.local [hbm:s5], $0x2700  }
0x15: {  	_ =	swait.ge [sflag:s13], $0x2700  }
0x16: {  	[sflag:s13] =	ssyncset.done $0x0  }
0x17: {  	s24 =	simm.s32 @!p0 $0x2;
	[sflag:s13] =	ssyncadd.s32 $0xFFFFD900  }
0x18: {  	[spmem:s14], [sflag:s6] =	dma.local @!p0 [hbm:s7], $0x100  }
0x19: {  	_ =	swait.ge @!p0 [sflag:s24], $0x100  }
0x1a: {  	[sflag:s24] =	ssyncset.done @!p0 $0x0  }
0x1b: {  	[sflag:s24] =	ssyncadd.s32 @!p0 $0xFFFFFF00  }
0x1c: {  	[tilespmem:s3], [sflag:$0x2] =	stream.linear.gather [hbm4b:s8+s3], $0x3E80, $0x38;
	[tilespmem:$0x1CA80] =	vst v63  }
0x1d: {  	_ =	swait.ge [sflag:s13], $0x3E80  }
0x1e: {  	[sflag:s13] =	ssyncset.done $0x0  }
0x1f: {  	[sflag:s13] =	ssyncadd.s32 $0xFFFFC180  }
0x20: {  	[bflag:$0x0] =	sbarrier.arrive $0xFFFF  }
0x21: {  	v0 =	vld [tilespmem:$0x0];
	_ =	sdelay $0x1  }
0x22: {  	v1 =	vld [tilespmem:$0x10];
	_ =	sdelay $0x1  }
0x23: {  	v2 =	vld [tilespmem:$0x20]  }
0x24: {  	v3 =	vand.u32 $0x3FFF, v0  }
0x25: {  	v0 =	vshrl.u32 v0, $0xE;
	[tilespmem:$0x4100] =	vst v3;
	v3 =	vld [tilespmem:$0x30]  }
0x26: {  	[tilespmem:$0x4000] =	vst v0;
	v0 =	vand.u32 $0x3FFF, v1  }
0x27: {  	[tilespmem:$0x4110] =	vst v0;
	v0 =	vshrl.u32 v1, $0xE;
	v1 =	vld [tilespmem:$0x40]  }
0x28: {  	[tilespmem:$0x4010] =	vst v0;
	v0 =	vand.u32 $0x3FFF, v2  }
0x29: {  	[tilespmem:$0x4120] =	vst v0;
	v0 =	vshrl.u32 v2, $0xE  }
0x2a: {  	[tilespmem:$0x4020] =	vst v0;
	v0 =	vand.u32 $0x3FFF, v3  }
0x2b: {  	[tilespmem:$0x4130] =	vst v0;
	v0 =	vshrl.u32 v3, $0xE  }
0x2c: {  	[tilespmem:$0x4030] =	vst v0;
	v0 =	vand.u32 $0x3FFF, v1  }
0x2d: {  	[tilespmem:$0x4140] =	vst v0;
	v0 =	vshrl.u32 v1, $0xE  }
0x2e: {  	s25 =	simm.s32 $0x0;
	[tilespmem:$0x4040] =	vst v0  }
0x2f: {  	[tilespmem:s17], [sflag:$0x1] =	stream.indirect.gather [hbm4b:s4+s15], $0x80, s16, s15, $0xb8;
	[tilespmem:$0x1CA80] =	vst v63  }
0x30: {  	v0 =	vld [tilespmem:s25+$0x80];
	_ =	sdelay $0x4  }
0x31: {  	v1 =	vand.u32 $0x3FFF, v0  }
0x32: {  	v0 =	vshrl.u32 v0, $0xE;
	[tilespmem:$0x4180] =	vst v1  }
0x33: {  	[tilespmem:$0x4080] =	vst v0  }
0x34: {  	v0 =	vld [tilespmem:s25+$0x90];
	_ =	sdelay $0x4  }
0x35: {  	v1 =	vand.u32 $0x3FFF, v0  }
0x36: {  	v0 =	vshrl.u32 v0, $0xE;
	[tilespmem:$0x4190] =	vst v1  }
0x37: {  	[tilespmem:$0x4090] =	vst v0  }
0x38: {  	v0 =	vld [tilespmem:s25+$0xA0];
	_ =	sdelay $0x4  }
0x39: {  	v1 =	vand.u32 $0x3FFF, v0  }
0x3a: {  	v0 =	vshrl.u32 v0, $0xE;
	[tilespmem:$0x41A0] =	vst v1  }
0x3b: {  	[tilespmem:$0x40A0] =	vst v0  }
0x3c: {  	v0 =	vld [tilespmem:s25+$0xB0];
	_ =	sdelay $0x4  }
0x3d: {  	v1 =	vand.u32 $0x3FFF, v0  }
0x3e: {  	v0 =	vshrl.u32 v0, $0xE;
	[tilespmem:$0x41B0] =	vst v1  }
0x3f: {  	[tilespmem:$0x40B0] =	vst v0  }
0x40: {  	v0 =	vld [tilespmem:s25+$0xC0];
	_ =	sdelay $0x4  }
0x41: {  	v1 =	vand.u32 $0x3FFF, v0  }
0x42: {  	v0 =	vshrl.u32 v0, $0xE;
	[tilespmem:$0x41C0] =	vst v1  }
0x43: {  	[tilespmem:$0x40C0] =	vst v0  }
0x44: {  	[tilespmem:s19], [sflag:$0x1] =	stream.indirect.gather [hbm4b:s4+s15], $0x80, s18, s15, $0xb8;
	[tilespmem:$0x1CA80] =	vst v63  }
0x45: {  	_ =	swait.ge [sflag:s20], $0x2800  }
0x46: {  	[sflag:s20] =	ssyncset.done $0x0  }
0x47: {  	[sflag:s20] =	ssyncadd.s32 $0xFFFFD800  }
0x48: {  	[spmem:s1] =	stream.indirect.scatter.add.f32 [tilespmem:s17], [sflag:$0x2], $0x80, s21, s15, $0xb8;
	[tilespmem:$0x1CA80] =	vst v63  }
0x49: {  	_ =	swait.ge [sflag:s13], $0x2800  }
0x4a: {  	[sflag:s13] =	ssyncset.done $0x0  }
0x4b: {  	[sflag:s13] =	ssyncadd.s32 $0xFFFFD800  }
0x4c: {  	v0 =	vld [tilespmem:s25+$0x100];
	_ =	sdelay $0x4  }
0x4d: {  	v1 =	vand.u32 $0x3FFF, v0  }
0x4e: {  	v0 =	vshrl.u32 v0, $0xE;
	[tilespmem:$0x4100] =	vst v1  }
0x4f: {  	[tilespmem:$0x4000] =	vst v0  }
0x50: {  	v0 =	vld [tilespmem:s25+$0x110];
	_ =	sdelay $0x4  }
0x51: {  	v1 =	vand.u32 $0x3FFF, v0  }
0x52: {  	v0 =	vshrl.u32 v0, $0xE;
	[tilespmem:$0x4110] =	vst v1  }
0x53: {  	[tilespmem:$0x4010] =	vst v0  }
0x54: {  	v0 =	vld [tilespmem:s25+$0x120];
	_ =	sdelay $0x4  }
0x55: {  	v1 =	vand.u32 $0x3FFF, v0  }
0x56: {  	v0 =	vshrl.u32 v0, $0xE;
	[tilespmem:$0x4120] =	vst v1  }
0x57: {  	[tilespmem:$0x4020] =	vst v0  }
0x58: {  	v0 =	vld [tilespmem:s25+$0x130];
	_ =	sdelay $0x4  }
0x59: {  	v1 =	vand.u32 $0x3FFF, v0  }
0x5a: {  	v0 =	vshrl.u32 v0, $0xE;
	[tilespmem:$0x4130] =	vst v1  }
0x5b: {  	[tilespmem:$0x4030] =	vst v0  }
0x5c: {  	s24 =	simm.s32 $0x400;
	v0 =	vld [tilespmem:s25+$0x140]  }
.LBB2_2:
0x5d: {  	_ =	sdelay $0x3  }
0x5e: {  	p1 =	sne.s32 s24, $0xF400;
	s25 =	smov.u32 s24;
	s24 =	sadd.s32 $0x400, s24;
	v1 =	vand.u32 $0x3FFF, v0;
	v0 =	vshrl.u32 v0, $0xE  }
0x5f: {  	[tilespmem:$0x4140] =	vst v1  }
0x60: {  	[tilespmem:$0x4040] =	vst v0  }
0x61: {  	[tilespmem:s17], [sflag:$0x1] =	stream.indirect.gather [hbm4b:s4+s15], $0x80, s16, s15, $0xb8;
	[tilespmem:$0x1CA80] =	vst v63  }
0x62: {  	_ =	swait.ge [sflag:s20], $0x2800  }
0x63: {  	[sflag:s20] =	ssyncset.done $0x0  }
0x64: {  	[sflag:s20] =	ssyncadd.s32 $0xFFFFD800  }
0x65: {  	[spmem:s1] =	stream.indirect.scatter.add.f32 [tilespmem:s19], [sflag:$0x2], $0x80, s22, s15, $0xb8;
	[tilespmem:$0x1CA80] =	vst v63  }
0x66: {  	_ =	swait.ge [sflag:s13], $0x2800  }
0x67: {  	[sflag:s13] =	ssyncset.done $0x0  }
0x68: {  	s25 =	sshra.s32 s25, $0x2;
	[sflag:s13] =	ssyncadd.s32 $0xFFFFD800  }
0x69: {  	v0 =	vld [tilespmem:s25+$0x80];
	_ =	sdelay $0x4  }
0x6a: {  	v1 =	vand.u32 $0x3FFF, v0;
	v0 =	vshrl.u32 v0, $0xE  }
0x6b: {  	[tilespmem:$0x4180] =	vst v1  }
0x6c: {  	[tilespmem:$0x4080] =	vst v0  }
0x6d: {  	v0 =	vld [tilespmem:s25+$0x90];
	_ =	sdelay $0x4  }
0x6e: {  	v1 =	vand.u32 $0x3FFF, v0;
	v0 =	vshrl.u32 v0, $0xE  }
0x6f: {  	[tilespmem:$0x4190] =	vst v1  }
0x70: {  	[tilespmem:$0x4090] =	vst v0  }
0x71: {  	v0 =	vld [tilespmem:s25+$0xA0];
	_ =	sdelay $0x4  }
0x72: {  	v1 =	vand.u32 $0x3FFF, v0;
	v0 =	vshrl.u32 v0, $0xE  }
0x73: {  	[tilespmem:$0x41A0] =	vst v1  }
0x74: {  	[tilespmem:$0x40A0] =	vst v0  }
0x75: {  	v0 =	vld [tilespmem:s25+$0xB0];
	_ =	sdelay $0x4  }
0x76: {  	v1 =	vand.u32 $0x3FFF, v0;
	v0 =	vshrl.u32 v0, $0xE  }
0x77: {  	[tilespmem:$0x41B0] =	vst v1  }
0x78: {  	[tilespmem:$0x40B0] =	vst v0  }
0x79: {  	v0 =	vld [tilespmem:s25+$0xC0];
	_ =	sdelay $0x4  }
0x7a: {  	v1 =	vand.u32 $0x3FFF, v0;
	v0 =	vshrl.u32 v0, $0xE  }
0x7b: {  	[tilespmem:$0x41C0] =	vst v1  }
0x7c: {  	[tilespmem:$0x40C0] =	vst v0  }
0x7d: {  	[tilespmem:s19], [sflag:$0x1] =	stream.indirect.gather [hbm4b:s4+s15], $0x80, s18, s15, $0xb8;
	[tilespmem:$0x1CA80] =	vst v63  }
0x7e: {  	_ =	swait.ge [sflag:s20], $0x2800  }
0x7f: {  	[sflag:s20] =	ssyncset.done $0x0  }
0x80: {  	[sflag:s20] =	ssyncadd.s32 $0xFFFFD800  }
0x81: {  	[spmem:s1] =	stream.indirect.scatter.add.f32 [tilespmem:s17], [sflag:$0x2], $0x80, s21, s15, $0xb8;
	[tilespmem:$0x1CA80] =	vst v63  }
0x82: {  	_ =	swait.ge [sflag:s13], $0x2800  }
0x83: {  	[sflag:s13] =	ssyncset.done $0x0  }
0x84: {  	[sflag:s13] =	ssyncadd.s32 $0xFFFFD800  }
0x85: {  	v0 =	vld [tilespmem:s25+$0x100];
	_ =	sdelay $0x4  }
0x86: {  	v1 =	vand.u32 $0x3FFF, v0;
	v0 =	vshrl.u32 v0, $0xE  }
0x87: {  	[tilespmem:$0x4100] =	vst v1  }
0x88: {  	[tilespmem:$0x4000] =	vst v0  }
0x89: {  	v0 =	vld [tilespmem:s25+$0x110];
	_ =	sdelay $0x4  }
0x8a: {  	v1 =	vand.u32 $0x3FFF, v0;
	v0 =	vshrl.u32 v0, $0xE  }
0x8b: {  	[tilespmem:$0x4110] =	vst v1  }
0x8c: {  	[tilespmem:$0x4010] =	vst v0  }
0x8d: {  	v0 =	vld [tilespmem:s25+$0x120];
	_ =	sdelay $0x4  }
0x8e: {  	v1 =	vand.u32 $0x3FFF, v0;
	v0 =	vshrl.u32 v0, $0xE  }
0x8f: {  	[tilespmem:$0x4120] =	vst v1  }
0x90: {  	[tilespmem:$0x4020] =	vst v0  }
0x91: {  	v0 =	vld [tilespmem:s25+$0x130];
	_ =	sdelay $0x3  }
.Ltmp0:
0x92: {  	(pc) =	sbr.rel @p1 .LBB2_2-.Ltmp0, $4  }
0x93: {  	v1 =	vand.u32 $0x3FFF, v0;
	v0 =	vshrl.u32 v0, $0xE  }
0x94: {  	[tilespmem:$0x4130] =	vst v1  }
0x95: {  	[tilespmem:$0x4030] =	vst v0  }
0x96: {  	v0 =	vld [tilespmem:s25+$0x140]  }
0x97: {  	_ =	sdelay $0x3  }
0x98: {  	v1 =	vand.u32 $0x3FFF, v0  }
0x99: {  	v63 =	vshrl.u32 v0, $0xE;
	[tilespmem:$0x4140] =	vst v1  }
0x9a: {  	[tilespmem:$0x4040] =	vst v63  }
0x9b: {  	[tilespmem:s17], [sflag:$0x1] =	stream.indirect.gather [hbm4b:s4+s15], $0x80, s16, s15, $0xb8;
	[tilespmem:$0x1CA80] =	vst v63  }
0x9c: {  	_ =	swait.ge [sflag:s20], $0x2800  }
0x9d: {  	[sflag:s20] =	ssyncset.done $0x0  }
0x9e: {  	[sflag:s20] =	ssyncadd.s32 $0xFFFFD800  }
0x9f: {  	[spmem:s1] =	stream.indirect.scatter.add.f32 [tilespmem:s19], [sflag:$0x2], $0x80, s22, s15, $0xb8;
	[tilespmem:$0x1CA80] =	vst v63  }
0xa0: {  	_ =	swait.ge [sflag:s13], $0x2800  }
0xa1: {  	[sflag:s13] =	ssyncset.done $0x0  }
0xa2: {  	[sflag:s13] =	ssyncadd.s32 $0xFFFFD800  }
0xa3: {  	_ =	swait.ge [sflag:s20], $0x2800  }
0xa4: {  	[sflag:s20] =	ssyncset.done $0x0  }
0xa5: {  	[sflag:s20] =	ssyncadd.s32 $0xFFFFD800  }
0xa6: {  	[spmem:s1] =	stream.indirect.scatter.add.f32 [tilespmem:s17], [sflag:$0x2], $0x80, s21, s15, $0xb8;
	[tilespmem:$0x1CA80] =	vst v63  }
0xa7: {  	_ =	swait.ge [sflag:s13], $0x2800  }
0xa8: {  	[sflag:s13] =	ssyncset.done $0x0  }
0xa9: {  	[sflag:s13] =	ssyncadd.s32 $0xFFFFD800  }
0xaa: {  	[bflag:$0x0] =	sbarrier.arrive $0xFFFF  }
0xab: {  	[hbm:s9], [sflag:s6] =	dma.local [spmem:s12], $0x2700  }
0xac: {  	s23 =	sadd.s32 $0x1, s23;
	_ =	swait.ge [sflag:s13], $0x2700  }
0xad: {  	p1 =	sne.s32 s23, s11;
	[sflag:s13] =	ssyncset.done $0x0  }
.Ltmp1:
0xae: {  	s24 =	simm.s32 @!p0 $0x2;
	[sflag:s13] =	ssyncadd.s32 $0xFFFFD900;
	(pc) =	sbr.rel @p1 .LBB2_1-.Ltmp1, $4  }
0xaf: {  	[hbm:s10], [sflag:s6] =	dma.local @!p0 [spmem:s14], $0x100  }
0xb0: {  	_ =	swait.ge @!p0 [sflag:s24], $0x100  }
0xb1: {  	[sflag:s24] =	ssyncset.done @!p0 $0x0  }
0xb2: {  	[sflag:s24] =	ssyncadd.s32 @!p0 $0xFFFFFF00  }
0xb3: {  	_ =	sfence.sel $0x180000  }
0xb4: {  	[bflag:$0x0] =	sbarrier.arrive $0xFFFF  }
0xb5: {  	p0 =	sne.s32 s2, $0x0;
	_ =	strace $0x90000047  }
0xb6: {  	s0 =	sadd.s32 @!p0 $0x100000, s0;
	[bflag:$0x2] =	sbarrier.arrive $0xFFFF  }
0xb7: {  	[sflag:s0] =	ssyncadd.tile.s32 @!p0 $0x1;
	_ =	shalt  }
.Lfunc_end2:
_tile_overlayer_lowered:
.L_overlay_start_2:
0xb8: {  	(tag) =	ssettag $0x2  }
0xb9: {  	s0 =	rddreg [dreg:$0x0];
	s2 =	stileid.u32  }
0xba: {  	s1 =	rddreg [dreg:$0x1];
	p0 =	sne.s32 s2, $0x0  }
0xbb: {  	s3 =	rddreg [dreg:$0x2];
	[bflag:$0x3] =	sbarrier.arrive $0xFFFF;
	s2 =	simm.s32 @!p0 $0x1C02  }
0xbc: {  	[timem:s3], [sflag:s2] =	dma.local @!p0 [hbm:s0], s1  }
0xbd: {  	s0 =	simm.s32 @!p0 $0x2  }
0xbe: {  	_ =	swait.ge @!p0 [sflag:s0], s1  }
0xbf: {  	s1 =	ssub.s32 @!p0 $0x0, s1;
	[sflag:s0] =	ssyncset.done @!p0 $0x0  }
0xc0: {  	[sflag:s0] =	ssyncadd.s32 @!p0 s1  }
0xc1: {  	[bflag:$0x3] =	sbarrier.arrive $0xFFFF  }
0xc2: {  	_ =	shalt  }

</sc_bundles>
